<compile_context>
chip_gen: v7x
topology: tpu7x:2x2x1
jax: 0.10.2.dev20260603
libtpu: 0.0.44.dev20260713+nightly
codegen_flags: <defaults>
</compile_context>

<pallas_src>
import functools

import jax
import jax.numpy as jnp
from jax import lax
from jax.experimental import pallas as pl
from jax.experimental.pallas import tpu as pltpu
from jax.experimental.pallas import tpu_sc as plsc

N = 10000
E = 320000
D = 128
DA = 144
NC, NS = 2, 16
NW = NC * NS
EPT = E // NW
CH = 80
NCHUNK = EPT // CH
RPT = 624
TAIL = N - NS * RPT
ZR = 48


def _sc_aggregate(xa, packed):
  mesh = plsc.VectorSubcoreMesh(core_axis_name="c", subcore_axis_name="s")

  @functools.partial(
      pl.kernel,
      out_type=(jax.ShapeDtypeStruct((NC * N, D), jnp.float32),
                jax.ShapeDtypeStruct((NC * N, DA - D), jnp.float32)),
      mesh=mesh,
      scratch_types=[
          pltpu.VMEM_SHARED((N, DA), jnp.float32),
          pltpu.VMEM((ZR, DA), jnp.float32),
          pltpu.VMEM((EPT,), jnp.int32),
          pltpu.VMEM((CH,), jnp.int32),
          pltpu.VMEM((CH,), jnp.int32),
          pltpu.VMEM((CH,), jnp.int32),
          pltpu.VMEM((CH,), jnp.int32),
          pltpu.VMEM((CH, DA), jnp.float32),
          pltpu.VMEM((CH, DA), jnp.float32),
          pltpu.SemaphoreType.DMA,
          pltpu.SemaphoreType.DMA,
      ],
      compiler_params=pltpu.CompilerParams(use_tc_tiling_on_sc=False),
  )
  def body(xa_hbm, pk_hbm, feat_hbm, deg_hbm, acc, zbuf, pidx, sb0, sb1, db0,
           db1, rows0, rows1, gsem0, gsem1):
    c = lax.axis_index("c")
    s = lax.axis_index("s")
    wid = c * NS + s

    pltpu.async_copy(pk_hbm.at[pl.ds(wid * EPT, EPT)], pidx, gsem0)

    def zrow(i, carry):
      for j in range(DA // 16):
        zbuf[i, pl.ds(j * 16, 16)] = jnp.zeros((16,), jnp.float32)
      return carry
    lax.fori_loop(0, ZR, zrow, 0)
    pltpu.make_async_copy(pk_hbm.at[pl.ds(0, EPT)], pidx, gsem0).wait()
    for t in range(RPT // ZR):
      pltpu.sync_copy(zbuf, acc.at[pl.ds(s * RPT + t * ZR, ZR)])
    @pl.when(s == 0)
    def _():
      pltpu.sync_copy(zbuf.at[pl.ds(0, TAIL)], acc.at[pl.ds(NS * RPT, TAIL)])
    plsc.subcore_barrier()

    def unpack(i, sb, db):
      for j in range(CH // 16):
        v = pidx[pl.ds(i * CH + j * 16, 16)]
        sb[pl.ds(j * 16, 16)] = v & jnp.int32(0x3FFF)
        db[pl.ds(j * 16, 16)] = lax.shift_right_logical(v, jnp.int32(14))

    def gather(sb, buf, sem):
      pltpu.async_copy(xa_hbm.at[sb], buf, sem)

    def gwait(buf, sem):
      pltpu.make_async_copy(xa_hbm.at[sb0], buf, sem).wait()

    def scatter(db, buf):
      pltpu.sync_copy(buf, acc.at[db], add=True)

    unpack(0, sb0, db0)
    gather(sb0, rows0, gsem0)

    def step(k, carry):
      unpack(2 * k + 1, sb1, db1)
      gather(sb1, rows1, gsem1)
      gwait(rows0, gsem0)
      scatter(db0, rows0)
      unpack(2 * k + 2, sb0, db0)
      gather(sb0, rows0, gsem0)
      gwait(rows1, gsem1)
      scatter(db1, rows1)
      return carry
    lax.fori_loop(0, (NCHUNK - 1) // 2, step, 0)
    gwait(rows0, gsem0)
    scatter(db0, rows0)
    plsc.subcore_barrier()

    pltpu.sync_copy(acc.at[pl.ds(s * RPT, RPT), pl.ds(0, D)],
                    feat_hbm.at[pl.ds(c * N + s * RPT, RPT)])
    pltpu.sync_copy(acc.at[pl.ds(s * RPT, RPT), pl.ds(D, DA - D)],
                    deg_hbm.at[pl.ds(c * N + s * RPT, RPT)])
    @pl.when(s == 0)
    def _():
      pltpu.sync_copy(acc.at[pl.ds(NS * RPT, TAIL), pl.ds(0, D)],
                      feat_hbm.at[pl.ds(c * N + NS * RPT, TAIL)])
      pltpu.sync_copy(acc.at[pl.ds(NS * RPT, TAIL), pl.ds(D, DA - D)],
                      deg_hbm.at[pl.ds(c * N + NS * RPT, TAIL)])

  return body(xa, packed)


def _tc_finish(x, feat, deg, W_self, b_self, W_neigh, b_neigh):
  DGC = N * (DA - D) // 128

  def body(x_ref, f_ref, d_ref, ws_ref, wn_ref, bs_ref, bn_ref, o_ref):
    dsum = d_ref[:DGC, :] + d_ref[DGC:, :]
    d8 = jnp.repeat(dsum, 8, axis=0)
    lane = lax.broadcasted_iota(jnp.int32, (N, 128), 1)
    grp = lax.broadcasted_iota(jnp.int32, (N, 128), 0) % 8
    degcol = jnp.sum(jnp.where(lane == 16 * grp, d8, 0.0), axis=1,
                     keepdims=True)
    neigh = (f_ref[:N, :] + f_ref[N:, :]) / jnp.maximum(degcol, 1.0)
    o_ref[...] = (
        jnp.dot(x_ref[...], ws_ref[...], preferred_element_type=jnp.float32)
        + jnp.dot(neigh, wn_ref[...], preferred_element_type=jnp.float32)
        + bs_ref[...] + bn_ref[...])

  return pl.pallas_call(
      body,
      out_shape=jax.ShapeDtypeStruct((N, D), jnp.float32),
  )(x, feat, deg, W_self, W_neigh, b_self.reshape(1, D), b_neigh.reshape(1, D))


def kernel(x, edge_index, W_self, b_self, W_neigh, b_neigh):
  packed = edge_index[0] | (edge_index[1] << 14)
  xa = jnp.concatenate(
      [x, jnp.ones((N, 1), jnp.float32), jnp.zeros((N, DA - D - 1), jnp.float32)],
      axis=1)
  feat, deg = _sc_aggregate(xa, packed)
  deg = deg.reshape(NC * N * (DA - D) // 128, 128)
  return _tc_finish(x, feat, deg, W_self, b_self, W_neigh, b_neigh)

# --- scband reference (transcript-rebuilt; emitter-appended) ---
"""Pipeline reference for scband-sageconv-33861522161965 (READ-ONLY COPY).

The authoritative reference and input builder live on the scoring server;
editing this copy changes nothing except your own understanding.
"""

import jax, jax.numpy as jnp
import numpy as np

N_NODES = 10000
N_EDGES = 320000
D_IN = 128
D_OUT = 128


def setup_inputs(seed: int = 0) -> dict:
    key = jax.random.key(seed)
    k1, k2, k3, k4 = jax.random.split(key, 4)
    x = jax.random.normal(k1, (N_NODES, D_IN), dtype=jnp.float32)
    edge_index = jax.random.randint(k2, (2, N_EDGES), 0, N_NODES, dtype=jnp.int32)
    # Learned parameters: two Dense layers (fc_self, fc_neigh), flax kernel layout [in, out]
    scale_self = 1.0 / np.sqrt(D_IN)
    W_self = jax.random.uniform(k3, (D_IN, D_OUT), dtype=jnp.float32, minval=-scale_self, maxval=scale_self)
    b_self = jnp.zeros((D_OUT,), dtype=jnp.float32)
    W_neigh = jax.random.uniform(k4, (D_IN, D_OUT), dtype=jnp.float32, minval=-scale_self, maxval=scale_self)
    b_neigh = jnp.zeros((D_OUT,), dtype=jnp.float32)
    return {"x": x, "edge_index": edge_index, "W_self": W_self, "b_self": b_self, "W_neigh": W_neigh, "b_neigh": b_neigh}


def reference(x, edge_index, W_self, b_self, W_neigh, b_neigh):
    # SAGEConv with 'mean' aggregator (no dropout at eval, no norm/activation).
    src = edge_index[0]
    dst = edge_index[1]
    # message passing: copy_src('h','m') then mean('m','neigh')
    msg = jnp.take(x, src, axis=0)                                   # gather  [E, D_IN]
    summed = jax.ops.segment_sum(msg, dst, num_segments=N_NODES)     # scatter-add [N, D_IN]
    deg = jax.ops.segment_sum(jnp.ones((N_EDGES,), dtype=x.dtype), dst, num_segments=N_NODES)
    h_neigh = summed / jnp.maximum(deg, 1.0)[:, None]                # mean aggregation (0 for isolated nodes)
    h_self = x
    # rst = Dense(h_self) + Dense(h_neigh)
    rst = (h_self @ W_self + b_self) + (h_neigh @ W_neigh + b_neigh)
    return rst

if __name__ == "__main__":
    import jax
    _d = setup_inputs()
    print(jax.jit(kernel)(*tuple(_d.values())))

</pallas_src>

<mosaic_0001>
#map = affine_map<(d0, d1) -> (0, 0)>
#map1 = affine_map<(d0, d1) -> (0)>
module attributes {stable_mosaic.version = 14 : i64} {
  func.func @body(%arg0: i32, %arg1: i32, %arg2: memref<10000x144xf32, #tpu.memory_space<hbm>>, %arg3: memref<320000xi32, #tpu.memory_space<hbm>>, %arg4: memref<20000x128xf32, #tpu.memory_space<hbm>>, %arg5: memref<20000x16xf32, #tpu.memory_space<hbm>>, %arg6: memref<10000x144xf32, #tpu.memory_space<vmem_shared>>, %arg7: memref<48x144xf32, #tpu.memory_space<vmem>>, %arg8: memref<10000xi32, #tpu.memory_space<vmem>>, %arg9: memref<80xi32, #tpu.memory_space<vmem>>, %arg10: memref<80xi32, #tpu.memory_space<vmem>>, %arg11: memref<80xi32, #tpu.memory_space<vmem>>, %arg12: memref<80xi32, #tpu.memory_space<vmem>>, %arg13: memref<80x144xf32, #tpu.memory_space<vmem>>, %arg14: memref<80x144xf32, #tpu.memory_space<vmem>>, %arg15: memref<!tpu.dma_semaphore, #tpu.memory_space<semaphore_mem>>, %arg16: memref<!tpu.dma_semaphore, #tpu.memory_space<semaphore_mem>>) attributes {dimension_semantics = [#tpu.dimension_semantics<core_parallel>, #tpu.dimension_semantics<subcore_parallel>], iteration_bounds = array<i64: 2, 16>, scalar_prefetch = 0 : i64, scratch_operands = 11 : i64, tpu.core_type = #tpu.core_type<sc_vector_subcore>, window_params = [{transform_indices = #map}, {transform_indices = #map1}, {transform_indices = #map}, {transform_indices = #map}]} {
    %mul3A = arith.constant 16 : i32
    %mul3A_0 = arith.muli %arg0, %mul3A : i32
    %add3A = arith.addi %mul3A_0, %arg1 : i32
    %mul3A_1 = arith.constant 10000 : i32
    %mul3A_2 = arith.muli %add3A, %mul3A_1 : i32
    %dma_start3A = tpu.memref_slice %arg3[%mul3A_2] : memref<320000xi32, #tpu.memory_space<hbm>> -> memref<10000xi32, #tpu.memory_space<hbm>>
    %dma_start3A_3 = tpu.memref_slice %arg3[%mul3A_2] : memref<320000xi32, #tpu.memory_space<hbm>> -> memref<10000xi32, #tpu.memory_space<hbm>>
    tpu.enqueue_dma source(%dma_start3A_3 : memref<10000xi32, #tpu.memory_space<hbm>>) target(%arg8 : memref<10000xi32, #tpu.memory_space<vmem>>) target_semaphore(%arg15 : memref<!tpu.dma_semaphore, #tpu.memory_space<semaphore_mem>>)
    %scan3A = arith.constant 0 : i32
    %scan3A_4 = arith.constant 0 : i32
    %scan3A_5 = arith.constant 48 : i32
    %scan3A_6 = arith.addi %scan3A_4, %scan3A_5 : i32
    %scan3A_7 = arith.constant 1 : i32
    scf.for %scan3A_179 = %scan3A_4 to %scan3A_6 step %scan3A_7  : i32 {
      %broadcast_in_dim3A = arith.constant 0.000000e+00 : f32
      %broadcast_in_dim3A_180 = vector.broadcast %broadcast_in_dim3A : f32 to vector<16xf32>
      %swap3A_181 = arith.index_cast %scan3A_179 : i32 to index
      %swap3A_182 = arith.constant 0 : index
      %swap3A_183 = tpu.vector_load %arg7[%swap3A_181, %swap3A_182] {strides = array<i32>} : memref<48x144xf32, #tpu.memory_space<vmem>>, vector<1x16xf32>,
      %swap3A_184 = vector.shape_cast %swap3A_183 : vector<1x16xf32> to vector<16xf32>
      %swap3A_185 = vector.shape_cast %broadcast_in_dim3A_180 : vector<16xf32> to vector<1x16xf32>
      tpu.vector_store %arg7[%swap3A_181, %swap3A_182], %swap3A_185 {strides = array<i32>} : memref<48x144xf32, #tpu.memory_space<vmem>>, vector<1x16xf32>,
      %broadcast_in_dim3A_186 = arith.constant 0.000000e+00 : f32
      %broadcast_in_dim3A_187 = vector.broadcast %broadcast_in_dim3A_186 : f32 to vector<16xf32>
      %swap3A_188 = arith.index_cast %scan3A_179 : i32 to index
      %swap3A_189 = arith.constant 16 : index
      %swap3A_190 = tpu.vector_load %arg7[%swap3A_188, %swap3A_189] {strides = array<i32>} : memref<48x144xf32, #tpu.memory_space<vmem>>, vector<1x16xf32>,
      %swap3A_191 = vector.shape_cast %swap3A_190 : vector<1x16xf32> to vector<16xf32>
      %swap3A_192 = vector.shape_cast %broadcast_in_dim3A_187 : vector<16xf32> to vector<1x16xf32>
      tpu.vector_store %arg7[%swap3A_188, %swap3A_189], %swap3A_192 {strides = array<i32>} : memref<48x144xf32, #tpu.memory_space<vmem>>, vector<1x16xf32>,
      %broadcast_in_dim3A_193 = arith.constant 0.000000e+00 : f32
      %broadcast_in_dim3A_194 = vector.broadcast %broadcast_in_dim3A_193 : f32 to vector<16xf32>
      %swap3A_195 = arith.index_cast %scan3A_179 : i32 to index
      %swap3A_196 = arith.constant 32 : index
      %swap3A_197 = tpu.vector_load %arg7[%swap3A_195, %swap3A_196] {strides = array<i32>} : memref<48x144xf32, #tpu.memory_space<vmem>>, vector<1x16xf32>,
      %swap3A_198 = vector.shape_cast %swap3A_197 : vector<1x16xf32> to vector<16xf32>
      %swap3A_199 = vector.shape_cast %broadcast_in_dim3A_194 : vector<16xf32> to vector<1x16xf32>
      tpu.vector_store %arg7[%swap3A_195, %swap3A_196], %swap3A_199 {strides = array<i32>} : memref<48x144xf32, #tpu.memory_space<vmem>>, vector<1x16xf32>,
      %broadcast_in_dim3A_200 = arith.constant 0.000000e+00 : f32
      %broadcast_in_dim3A_201 = vector.broadcast %broadcast_in_dim3A_200 : f32 to vector<16xf32>
      %swap3A_202 = arith.index_cast %scan3A_179 : i32 to index
      %swap3A_203 = arith.constant 48 : index
      %swap3A_204 = tpu.vector_load %arg7[%swap3A_202, %swap3A_203] {strides = array<i32>} : memref<48x144xf32, #tpu.memory_space<vmem>>, vector<1x16xf32>,
      %swap3A_205 = vector.shape_cast %swap3A_204 : vector<1x16xf32> to vector<16xf32>
      %swap3A_206 = vector.shape_cast %broadcast_in_dim3A_201 : vector<16xf32> to vector<1x16xf32>
      tpu.vector_store %arg7[%swap3A_202, %swap3A_203], %swap3A_206 {strides = array<i32>} : memref<48x144xf32, #tpu.memory_space<vmem>>, vector<1x16xf32>,
      %broadcast_in_dim3A_207 = arith.constant 0.000000e+00 : f32
      %broadcast_in_dim3A_208 = vector.broadcast %broadcast_in_dim3A_207 : f32 to vector<16xf32>
      %swap3A_209 = arith.index_cast %scan3A_179 : i32 to index
      %swap3A_210 = arith.constant 64 : index
      %swap3A_211 = tpu.vector_load %arg7[%swap3A_209, %swap3A_210] {strides = array<i32>} : memref<48x144xf32, #tpu.memory_space<vmem>>, vector<1x16xf32>,
      %swap3A_212 = vector.shape_cast %swap3A_211 : vector<1x16xf32> to vector<16xf32>
      %swap3A_213 = vector.shape_cast %broadcast_in_dim3A_208 : vector<16xf32> to vector<1x16xf32>
      tpu.vector_store %arg7[%swap3A_209, %swap3A_210], %swap3A_213 {strides = array<i32>} : memref<48x144xf32, #tpu.memory_space<vmem>>, vector<1x16xf32>,
      %broadcast_in_dim3A_214 = arith.constant 0.000000e+00 : f32
      %broadcast_in_dim3A_215 = vector.broadcast %broadcast_in_dim3A_214 : f32 to vector<16xf32>
      %swap3A_216 = arith.index_cast %scan3A_179 : i32 to index
      %swap3A_217 = arith.constant 80 : index
      %swap3A_218 = tpu.vector_load %arg7[%swap3A_216, %swap3A_217] {strides = array<i32>} : memref<48x144xf32, #tpu.memory_space<vmem>>, vector<1x16xf32>,
      %swap3A_219 = vector.shape_cast %swap3A_218 : vector<1x16xf32> to vector<16xf32>
      %swap3A_220 = vector.shape_cast %broadcast_in_dim3A_215 : vector<16xf32> to vector<1x16xf32>
      tpu.vector_store %arg7[%swap3A_216, %swap3A_217], %swap3A_220 {strides = array<i32>} : memref<48x144xf32, #tpu.memory_space<vmem>>, vector<1x16xf32>,
      %broadcast_in_dim3A_221 = arith.constant 0.000000e+00 : f32
      %broadcast_in_dim3A_222 = vector.broadcast %broadcast_in_dim3A_221 : f32 to vector<16xf32>
      %swap3A_223 = arith.index_cast %scan3A_179 : i32 to index
      %swap3A_224 = arith.constant 96 : index
      %swap3A_225 = tpu.vector_load %arg7[%swap3A_223, %swap3A_224] {strides = array<i32>} : memref<48x144xf32, #tpu.memory_space<vmem>>, vector<1x16xf32>,
      %swap3A_226 = vector.shape_cast %swap3A_225 : vector<1x16xf32> to vector<16xf32>
      %swap3A_227 = vector.shape_cast %broadcast_in_dim3A_222 : vector<16xf32> to vector<1x16xf32>
      tpu.vector_store %arg7[%swap3A_223, %swap3A_224], %swap3A_227 {strides = array<i32>} : memref<48x144xf32, #tpu.memory_space<vmem>>, vector<1x16xf32>,
      %broadcast_in_dim3A_228 = arith.constant 0.000000e+00 : f32
      %broadcast_in_dim3A_229 = vector.broadcast %broadcast_in_dim3A_228 : f32 to vector<16xf32>
      %swap3A_230 = arith.index_cast %scan3A_179 : i32 to index
      %swap3A_231 = arith.constant 112 : index
      %swap3A_232 = tpu.vector_load %arg7[%swap3A_230, %swap3A_231] {strides = array<i32>} : memref<48x144xf32, #tpu.memory_space<vmem>>, vector<1x16xf32>,
      %swap3A_233 = vector.shape_cast %swap3A_232 : vector<1x16xf32> to vector<16xf32>
      %swap3A_234 = vector.shape_cast %broadcast_in_dim3A_229 : vector<16xf32> to vector<1x16xf32>
      tpu.vector_store %arg7[%swap3A_230, %swap3A_231], %swap3A_234 {strides = array<i32>} : memref<48x144xf32, #tpu.memory_space<vmem>>, vector<1x16xf32>,
      %broadcast_in_dim3A_235 = arith.constant 0.000000e+00 : f32
      %broadcast_in_dim3A_236 = vector.broadcast %broadcast_in_dim3A_235 : f32 to vector<16xf32>
      %swap3A_237 = arith.index_cast %scan3A_179 : i32 to index
      %swap3A_238 = arith.constant 128 : index
      %swap3A_239 = tpu.vector_load %arg7[%swap3A_237, %swap3A_238] {strides = array<i32>} : memref<48x144xf32, #tpu.memory_space<vmem>>, vector<1x16xf32>,
      %swap3A_240 = vector.shape_cast %swap3A_239 : vector<1x16xf32> to vector<16xf32>
      %swap3A_241 = vector.shape_cast %broadcast_in_dim3A_236 : vector<16xf32> to vector<1x16xf32>
      tpu.vector_store %arg7[%swap3A_237, %swap3A_238], %swap3A_241 {strides = array<i32>} : memref<48x144xf32, #tpu.memory_space<vmem>>, vector<1x16xf32>,
    }
    %scan3A_8 = arith.constant 48 : i32
    %dma_wait3A = arith.constant 0 : i32
    %dma_wait3A_9 = tpu.memref_slice %arg3[%dma_wait3A] : memref<320000xi32, #tpu.memory_space<hbm>> -> memref<10000xi32, #tpu.memory_space<hbm>>
    %dma_wait3A_10 = arith.constant 0 : i32
    %dma_wait3A_11 = tpu.memref_slice %arg3[%dma_wait3A_10] : memref<320000xi32, #tpu.memory_space<hbm>> -> memref<10000xi32, #tpu.memory_space<hbm>>
    tpu.wait_dma2 semaphore(%arg15 : memref<!tpu.dma_semaphore, #tpu.memory_space<semaphore_mem>>) src(%dma_wait3A_11 : memref<10000xi32, #tpu.memory_space<hbm>>) dst(%arg8 : memref<10000xi32, #tpu.memory_space<vmem>>)
    %mul3A_12 = arith.constant 624 : i32
    %mul3A_13 = arith.muli %arg1, %mul3A_12 : i32
    %add3A_14 = arith.constant 0 : i32
    %add3A_15 = arith.addi %mul3A_13, %add3A_14 : i32
    "tpu.region"() ({
      %run_scoped3A = tpu.sem_alloc : memref<!tpu.dma_semaphore, #tpu.memory_space<semaphore_mem>>
      %dma_start3A_179 = arith.constant 0 : i32
      %dma_start3A_180 = tpu.memref_slice %arg6[%add3A_15, %dma_start3A_179] : memref<10000x144xf32, #tpu.memory_space<vmem_shared>> -> memref<48x144xf32, #tpu.memory_space<vmem_shared>>
      %dma_start3A_181 = arith.constant 0 : i32
      %dma_start3A_182 = tpu.memref_slice %arg6[%add3A_15, %dma_start3A_181] : memref<10000x144xf32, #tpu.memory_space<vmem_shared>> -> memref<48x144xf32, #tpu.memory_space<vmem_shared>>
      tpu.enqueue_dma source(%arg7 : memref<48x144xf32, #tpu.memory_space<vmem>>) target(%dma_start3A_182 : memref<48x144xf32, #tpu.memory_space<vmem_shared>>) target_semaphore(%run_scoped3A : memref<!tpu.dma_semaphore, #tpu.memory_space<semaphore_mem>>)
      %dma_wait3A_183 = arith.constant 0 : i32
      %dma_wait3A_184 = tpu.memref_slice %arg6[%add3A_15, %dma_wait3A_183] : memref<10000x144xf32, #tpu.memory_space<vmem_shared>> -> memref<48x144xf32, #tpu.memory_space<vmem_shared>>
      %dma_wait3A_185 = arith.constant 0 : i32
      %dma_wait3A_186 = tpu.memref_slice %arg6[%add3A_15, %dma_wait3A_185] : memref<10000x144xf32, #tpu.memory_space<vmem_shared>> -> memref<48x144xf32, #tpu.memory_space<vmem_shared>>
      tpu.wait_dma2 semaphore(%run_scoped3A : memref<!tpu.dma_semaphore, #tpu.memory_space<semaphore_mem>>) src(%arg7 : memref<48x144xf32, #tpu.memory_space<vmem>>) dst(%dma_wait3A_186 : memref<48x144xf32, #tpu.memory_space<vmem_shared>>)
      tpu.yield
    }) : () -> ()
    %mul3A_16 = arith.constant 624 : i32
    %mul3A_17 = arith.muli %arg1, %mul3A_16 : i32
    %add3A_18 = arith.constant 48 : i32
    %add3A_19 = arith.addi %mul3A_17, %add3A_18 : i32
    "tpu.region"() ({
      %run_scoped3A = tpu.sem_alloc : memref<!tpu.dma_semaphore, #tpu.memory_space<semaphore_mem>>
      %dma_start3A_179 = arith.constant 0 : i32
      %dma_start3A_180 = tpu.memref_slice %arg6[%add3A_19, %dma_start3A_179] : memref<10000x144xf32, #tpu.memory_space<vmem_shared>> -> memref<48x144xf32, #tpu.memory_space<vmem_shared>>
      %dma_start3A_181 = arith.constant 0 : i32
      %dma_start3A_182 = tpu.memref_slice %arg6[%add3A_19, %dma_start3A_181] : memref<10000x144xf32, #tpu.memory_space<vmem_shared>> -> memref<48x144xf32, #tpu.memory_space<vmem_shared>>
      tpu.enqueue_dma source(%arg7 : memref<48x144xf32, #tpu.memory_space<vmem>>) target(%dma_start3A_182 : memref<48x144xf32, #tpu.memory_space<vmem_shared>>) target_semaphore(%run_scoped3A : memref<!tpu.dma_semaphore, #tpu.memory_space<semaphore_mem>>)
      %dma_wait3A_183 = arith.constant 0 : i32
      %dma_wait3A_184 = tpu.memref_slice %arg6[%add3A_19, %dma_wait3A_183] : memref<10000x144xf32, #tpu.memory_space<vmem_shared>> -> memref<48x144xf32, #tpu.memory_space<vmem_shared>>
      %dma_wait3A_185 = arith.constant 0 : i32
      %dma_wait3A_186 = tpu.memref_slice %arg6[%add3A_19, %dma_wait3A_185] : memref<10000x144xf32, #tpu.memory_space<vmem_shared>> -> memref<48x144xf32, #tpu.memory_space<vmem_shared>>
      tpu.wait_dma2 semaphore(%run_scoped3A : memref<!tpu.dma_semaphore, #tpu.memory_space<semaphore_mem>>) src(%arg7 : memref<48x144xf32, #tpu.memory_space<vmem>>) dst(%dma_wait3A_186 : memref<48x144xf32, #tpu.memory_space<vmem_shared>>)
      tpu.yield
    }) : () -> ()
    %mul3A_20 = arith.constant 624 : i32
    %mul3A_21 = arith.muli %arg1, %mul3A_20 : i32
    %add3A_22 = arith.constant 96 : i32
    %add3A_23 = arith.addi %mul3A_21, %add3A_22 : i32
    "tpu.region"() ({
      %run_scoped3A = tpu.sem_alloc : memref<!tpu.dma_semaphore, #tpu.memory_space<semaphore_mem>>
      %dma_start3A_179 = arith.constant 0 : i32
      %dma_start3A_180 = tpu.memref_slice %arg6[%add3A_23, %dma_start3A_179] : memref<10000x144xf32, #tpu.memory_space<vmem_shared>> -> memref<48x144xf32, #tpu.memory_space<vmem_shared>>
      %dma_start3A_181 = arith.constant 0 : i32
      %dma_start3A_182 = tpu.memref_slice %arg6[%add3A_23, %dma_start3A_181] : memref<10000x144xf32, #tpu.memory_space<vmem_shared>> -> memref<48x144xf32, #tpu.memory_space<vmem_shared>>
      tpu.enqueue_dma source(%arg7 : memref<48x144xf32, #tpu.memory_space<vmem>>) target(%dma_start3A_182 : memref<48x144xf32, #tpu.memory_space<vmem_shared>>) target_semaphore(%run_scoped3A : memref<!tpu.dma_semaphore, #tpu.memory_space<semaphore_mem>>)
      %dma_wait3A_183 = arith.constant 0 : i32
      %dma_wait3A_184 = tpu.memref_slice %arg6[%add3A_23, %dma_wait3A_183] : memref<10000x144xf32, #tpu.memory_space<vmem_shared>> -> memref<48x144xf32, #tpu.memory_space<vmem_shared>>
      %dma_wait3A_185 = arith.constant 0 : i32
      %dma_wait3A_186 = tpu.memref_slice %arg6[%add3A_23, %dma_wait3A_185] : memref<10000x144xf32, #tpu.memory_space<vmem_shared>> -> memref<48x144xf32, #tpu.memory_space<vmem_shared>>
      tpu.wait_dma2 semaphore(%run_scoped3A : memref<!tpu.dma_semaphore, #tpu.memory_space<semaphore_mem>>) src(%arg7 : memref<48x144xf32, #tpu.memory_space<vmem>>) dst(%dma_wait3A_186 : memref<48x144xf32, #tpu.memory_space<vmem_shared>>)
      tpu.yield
    }) : () -> ()
    %mul3A_24 = arith.constant 624 : i32
    %mul3A_25 = arith.muli %arg1, %mul3A_24 : i32
    %add3A_26 = arith.constant 144 : i32
    %add3A_27 = arith.addi %mul3A_25, %add3A_26 : i32
    "tpu.region"() ({
      %run_scoped3A = tpu.sem_alloc : memref<!tpu.dma_semaphore, #tpu.memory_space<semaphore_mem>>
      %dma_start3A_179 = arith.constant 0 : i32
      %dma_start3A_180 = tpu.memref_slice %arg6[%add3A_27, %dma_start3A_179] : memref<10000x144xf32, #tpu.memory_space<vmem_shared>> -> memref<48x144xf32, #tpu.memory_space<vmem_shared>>
      %dma_start3A_181 = arith.constant 0 : i32
      %dma_start3A_182 = tpu.memref_slice %arg6[%add3A_27, %dma_start3A_181] : memref<10000x144xf32, #tpu.memory_space<vmem_shared>> -> memref<48x144xf32, #tpu.memory_space<vmem_shared>>
      tpu.enqueue_dma source(%arg7 : memref<48x144xf32, #tpu.memory_space<vmem>>) target(%dma_start3A_182 : memref<48x144xf32, #tpu.memory_space<vmem_shared>>) target_semaphore(%run_scoped3A : memref<!tpu.dma_semaphore, #tpu.memory_space<semaphore_mem>>)
      %dma_wait3A_183 = arith.constant 0 : i32
      %dma_wait3A_184 = tpu.memref_slice %arg6[%add3A_27, %dma_wait3A_183] : memref<10000x144xf32, #tpu.memory_space<vmem_shared>> -> memref<48x144xf32, #tpu.memory_space<vmem_shared>>
      %dma_wait3A_185 = arith.constant 0 : i32
      %dma_wait3A_186 = tpu.memref_slice %arg6[%add3A_27, %dma_wait3A_185] : memref<10000x144xf32, #tpu.memory_space<vmem_shared>> -> memref<48x144xf32, #tpu.memory_space<vmem_shared>>
      tpu.wait_dma2 semaphore(%run_scoped3A : memref<!tpu.dma_semaphore, #tpu.memory_space<semaphore_mem>>) src(%arg7 : memref<48x144xf32, #tpu.memory_space<vmem>>) dst(%dma_wait3A_186 : memref<48x144xf32, #tpu.memory_space<vmem_shared>>)
      tpu.yield
    }) : () -> ()
    %mul3A_28 = arith.constant 624 : i32
    %mul3A_29 = arith.muli %arg1, %mul3A_28 : i32
    %add3A_30 = arith.constant 192 : i32
    %add3A_31 = arith.addi %mul3A_29, %add3A_30 : i32
    "tpu.region"() ({
      %run_scoped3A = tpu.sem_alloc : memref<!tpu.dma_semaphore, #tpu.memory_space<semaphore_mem>>
      %dma_start3A_179 = arith.constant 0 : i32
      %dma_start3A_180 = tpu.memref_slice %arg6[%add3A_31, %dma_start3A_179] : memref<10000x144xf32, #tpu.memory_space<vmem_shared>> -> memref<48x144xf32, #tpu.memory_space<vmem_shared>>
      %dma_start3A_181 = arith.constant 0 : i32
      %dma_start3A_182 = tpu.memref_slice %arg6[%add3A_31, %dma_start3A_181] : memref<10000x144xf32, #tpu.memory_space<vmem_shared>> -> memref<48x144xf32, #tpu.memory_space<vmem_shared>>
      tpu.enqueue_dma source(%arg7 : memref<48x144xf32, #tpu.memory_space<vmem>>) target(%dma_start3A_182 : memref<48x144xf32, #tpu.memory_space<vmem_shared>>) target_semaphore(%run_scoped3A : memref<!tpu.dma_semaphore, #tpu.memory_space<semaphore_mem>>)
      %dma_wait3A_183 = arith.constant 0 : i32
      %dma_wait3A_184 = tpu.memref_slice %arg6[%add3A_31, %dma_wait3A_183] : memref<10000x144xf32, #tpu.memory_space<vmem_shared>> -> memref<48x144xf32, #tpu.memory_space<vmem_shared>>
      %dma_wait3A_185 = arith.constant 0 : i32
      %dma_wait3A_186 = tpu.memref_slice %arg6[%add3A_31, %dma_wait3A_185] : memref<10000x144xf32, #tpu.memory_space<vmem_shared>> -> memref<48x144xf32, #tpu.memory_space<vmem_shared>>
      tpu.wait_dma2 semaphore(%run_scoped3A : memref<!tpu.dma_semaphore, #tpu.memory_space<semaphore_mem>>) src(%arg7 : memref<48x144xf32, #tpu.memory_space<vmem>>) dst(%dma_wait3A_186 : memref<48x144xf32, #tpu.memory_space<vmem_shared>>)
      tpu.yield
    }) : () -> ()
    %mul3A_32 = arith.constant 624 : i32
    %mul3A_33 = arith.muli %arg1, %mul3A_32 : i32
    %add3A_34 = arith.constant 240 : i32
    %add3A_35 = arith.addi %mul3A_33, %add3A_34 : i32
    "tpu.region"() ({
      %run_scoped3A = tpu.sem_alloc : memref<!tpu.dma_semaphore, #tpu.memory_space<semaphore_mem>>
      %dma_start3A_179 = arith.constant 0 : i32
      %dma_start3A_180 = tpu.memref_slice %arg6[%add3A_35, %dma_start3A_179] : memref<10000x144xf32, #tpu.memory_space<vmem_shared>> -> memref<48x144xf32, #tpu.memory_space<vmem_shared>>
      %dma_start3A_181 = arith.constant 0 : i32
      %dma_start3A_182 = tpu.memref_slice %arg6[%add3A_35, %dma_start3A_181] : memref<10000x144xf32, #tpu.memory_space<vmem_shared>> -> memref<48x144xf32, #tpu.memory_space<vmem_shared>>
      tpu.enqueue_dma source(%arg7 : memref<48x144xf32, #tpu.memory_space<vmem>>) target(%dma_start3A_182 : memref<48x144xf32, #tpu.memory_space<vmem_shared>>) target_semaphore(%run_scoped3A : memref<!tpu.dma_semaphore, #tpu.memory_space<semaphore_mem>>)
      %dma_wait3A_183 = arith.constant 0 : i32
      %dma_wait3A_184 = tpu.memref_slice %arg6[%add3A_35, %dma_wait3A_183] : memref<10000x144xf32, #tpu.memory_space<vmem_shared>> -> memref<48x144xf32, #tpu.memory_space<vmem_shared>>
      %dma_wait3A_185 = arith.constant 0 : i32
      %dma_wait3A_186 = tpu.memref_slice %arg6[%add3A_35, %dma_wait3A_185] : memref<10000x144xf32, #tpu.memory_space<vmem_shared>> -> memref<48x144xf32, #tpu.memory_space<vmem_shared>>
      tpu.wait_dma2 semaphore(%run_scoped3A : memref<!tpu.dma_semaphore, #tpu.memory_space<semaphore_mem>>) src(%arg7 : memref<48x144xf32, #tpu.memory_space<vmem>>) dst(%dma_wait3A_186 : memref<48x144xf32, #tpu.memory_space<vmem_shared>>)
      tpu.yield
    }) : () -> ()
    %mul3A_36 = arith.constant 624 : i32
    %mul3A_37 = arith.muli %arg1, %mul3A_36 : i32
    %add3A_38 = arith.constant 288 : i32
    %add3A_39 = arith.addi %mul3A_37, %add3A_38 : i32
    "tpu.region"() ({
      %run_scoped3A = tpu.sem_alloc : memref<!tpu.dma_semaphore, #tpu.memory_space<semaphore_mem>>
      %dma_start3A_179 = arith.constant 0 : i32
      %dma_start3A_180 = tpu.memref_slice %arg6[%add3A_39, %dma_start3A_179] : memref<10000x144xf32, #tpu.memory_space<vmem_shared>> -> memref<48x144xf32, #tpu.memory_space<vmem_shared>>
      %dma_start3A_181 = arith.constant 0 : i32
      %dma_start3A_182 = tpu.memref_slice %arg6[%add3A_39, %dma_start3A_181] : memref<10000x144xf32, #tpu.memory_space<vmem_shared>> -> memref<48x144xf32, #tpu.memory_space<vmem_shared>>
      tpu.enqueue_dma source(%arg7 : memref<48x144xf32, #tpu.memory_space<vmem>>) target(%dma_start3A_182 : memref<48x144xf32, #tpu.memory_space<vmem_shared>>) target_semaphore(%run_scoped3A : memref<!tpu.dma_semaphore, #tpu.memory_space<semaphore_mem>>)
      %dma_wait3A_183 = arith.constant 0 : i32
      %dma_wait3A_184 = tpu.memref_slice %arg6[%add3A_39, %dma_wait3A_183] : memref<10000x144xf32, #tpu.memory_space<vmem_shared>> -> memref<48x144xf32, #tpu.memory_space<vmem_shared>>
      %dma_wait3A_185 = arith.constant 0 : i32
      %dma_wait3A_186 = tpu.memref_slice %arg6[%add3A_39, %dma_wait3A_185] : memref<10000x144xf32, #tpu.memory_space<vmem_shared>> -> memref<48x144xf32, #tpu.memory_space<vmem_shared>>
      tpu.wait_dma2 semaphore(%run_scoped3A : memref<!tpu.dma_semaphore, #tpu.memory_space<semaphore_mem>>) src(%arg7 : memref<48x144xf32, #tpu.memory_space<vmem>>) dst(%dma_wait3A_186 : memref<48x144xf32, #tpu.memory_space<vmem_shared>>)
      tpu.yield
    }) : () -> ()
    %mul3A_40 = arith.constant 624 : i32
    %mul3A_41 = arith.muli %arg1, %mul3A_40 : i32
    %add3A_42 = arith.constant 336 : i32
    %add3A_43 = arith.addi %mul3A_41, %add3A_42 : i32
    "tpu.region"() ({
      %run_scoped3A = tpu.sem_alloc : memref<!tpu.dma_semaphore, #tpu.memory_space<semaphore_mem>>
      %dma_start3A_179 = arith.constant 0 : i32
      %dma_start3A_180 = tpu.memref_slice %arg6[%add3A_43, %dma_start3A_179] : memref<10000x144xf32, #tpu.memory_space<vmem_shared>> -> memref<48x144xf32, #tpu.memory_space<vmem_shared>>
      %dma_start3A_181 = arith.constant 0 : i32
      %dma_start3A_182 = tpu.memref_slice %arg6[%add3A_43, %dma_start3A_181] : memref<10000x144xf32, #tpu.memory_space<vmem_shared>> -> memref<48x144xf32, #tpu.memory_space<vmem_shared>>
      tpu.enqueue_dma source(%arg7 : memref<48x144xf32, #tpu.memory_space<vmem>>) target(%dma_start3A_182 : memref<48x144xf32, #tpu.memory_space<vmem_shared>>) target_semaphore(%run_scoped3A : memref<!tpu.dma_semaphore, #tpu.memory_space<semaphore_mem>>)
      %dma_wait3A_183 = arith.constant 0 : i32
      %dma_wait3A_184 = tpu.memref_slice %arg6[%add3A_43, %dma_wait3A_183] : memref<10000x144xf32, #tpu.memory_space<vmem_shared>> -> memref<48x144xf32, #tpu.memory_space<vmem_shared>>
      %dma_wait3A_185 = arith.constant 0 : i32
      %dma_wait3A_186 = tpu.memref_slice %arg6[%add3A_43, %dma_wait3A_185] : memref<10000x144xf32, #tpu.memory_space<vmem_shared>> -> memref<48x144xf32, #tpu.memory_space<vmem_shared>>
      tpu.wait_dma2 semaphore(%run_scoped3A : memref<!tpu.dma_semaphore, #tpu.memory_space<semaphore_mem>>) src(%arg7 : memref<48x144xf32, #tpu.memory_space<vmem>>) dst(%dma_wait3A_186 : memref<48x144xf32, #tpu.memory_space<vmem_shared>>)
      tpu.yield
    }) : () -> ()
    %mul3A_44 = arith.constant 624 : i32
    %mul3A_45 = arith.muli %arg1, %mul3A_44 : i32
    %add3A_46 = arith.constant 384 : i32
    %add3A_47 = arith.addi %mul3A_45, %add3A_46 : i32
    "tpu.region"() ({
      %run_scoped3A = tpu.sem_alloc : memref<!tpu.dma_semaphore, #tpu.memory_space<semaphore_mem>>
      %dma_start3A_179 = arith.constant 0 : i32
      %dma_start3A_180 = tpu.memref_slice %arg6[%add3A_47, %dma_start3A_179] : memref<10000x144xf32, #tpu.memory_space<vmem_shared>> -> memref<48x144xf32, #tpu.memory_space<vmem_shared>>
      %dma_start3A_181 = arith.constant 0 : i32
      %dma_start3A_182 = tpu.memref_slice %arg6[%add3A_47, %dma_start3A_181] : memref<10000x144xf32, #tpu.memory_space<vmem_shared>> -> memref<48x144xf32, #tpu.memory_space<vmem_shared>>
      tpu.enqueue_dma source(%arg7 : memref<48x144xf32, #tpu.memory_space<vmem>>) target(%dma_start3A_182 : memref<48x144xf32, #tpu.memory_space<vmem_shared>>) target_semaphore(%run_scoped3A : memref<!tpu.dma_semaphore, #tpu.memory_space<semaphore_mem>>)
      %dma_wait3A_183 = arith.constant 0 : i32
      %dma_wait3A_184 = tpu.memref_slice %arg6[%add3A_47, %dma_wait3A_183] : memref<10000x144xf32, #tpu.memory_space<vmem_shared>> -> memref<48x144xf32, #tpu.memory_space<vmem_shared>>
      %dma_wait3A_185 = arith.constant 0 : i32
      %dma_wait3A_186 = tpu.memref_slice %arg6[%add3A_47, %dma_wait3A_185] : memref<10000x144xf32, #tpu.memory_space<vmem_shared>> -> memref<48x144xf32, #tpu.memory_space<vmem_shared>>
      tpu.wait_dma2 semaphore(%run_scoped3A : memref<!tpu.dma_semaphore, #tpu.memory_space<semaphore_mem>>) src(%arg7 : memref<48x144xf32, #tpu.memory_space<vmem>>) dst(%dma_wait3A_186 : memref<48x144xf32, #tpu.memory_space<vmem_shared>>)
      tpu.yield
    }) : () -> ()
    %mul3A_48 = arith.constant 624 : i32
    %mul3A_49 = arith.muli %arg1, %mul3A_48 : i32
    %add3A_50 = arith.constant 432 : i32
    %add3A_51 = arith.addi %mul3A_49, %add3A_50 : i32
    "tpu.region"() ({
      %run_scoped3A = tpu.sem_alloc : memref<!tpu.dma_semaphore, #tpu.memory_space<semaphore_mem>>
      %dma_start3A_179 = arith.constant 0 : i32
      %dma_start3A_180 = tpu.memref_slice %arg6[%add3A_51, %dma_start3A_179] : memref<10000x144xf32, #tpu.memory_space<vmem_shared>> -> memref<48x144xf32, #tpu.memory_space<vmem_shared>>
      %dma_start3A_181 = arith.constant 0 : i32
      %dma_start3A_182 = tpu.memref_slice %arg6[%add3A_51, %dma_start3A_181] : memref<10000x144xf32, #tpu.memory_space<vmem_shared>> -> memref<48x144xf32, #tpu.memory_space<vmem_shared>>
      tpu.enqueue_dma source(%arg7 : memref<48x144xf32, #tpu.memory_space<vmem>>) target(%dma_start3A_182 : memref<48x144xf32, #tpu.memory_space<vmem_shared>>) target_semaphore(%run_scoped3A : memref<!tpu.dma_semaphore, #tpu.memory_space<semaphore_mem>>)
      %dma_wait3A_183 = arith.constant 0 : i32
      %dma_wait3A_184 = tpu.memref_slice %arg6[%add3A_51, %dma_wait3A_183] : memref<10000x144xf32, #tpu.memory_space<vmem_shared>> -> memref<48x144xf32, #tpu.memory_space<vmem_shared>>
      %dma_wait3A_185 = arith.constant 0 : i32
      %dma_wait3A_186 = tpu.memref_slice %arg6[%add3A_51, %dma_wait3A_185] : memref<10000x144xf32, #tpu.memory_space<vmem_shared>> -> memref<48x144xf32, #tpu.memory_space<vmem_shared>>
      tpu.wait_dma2 semaphore(%run_scoped3A : memref<!tpu.dma_semaphore, #tpu.memory_space<semaphore_mem>>) src(%arg7 : memref<48x144xf32, #tpu.memory_space<vmem>>) dst(%dma_wait3A_186 : memref<48x144xf32, #tpu.memory_space<vmem_shared>>)
      tpu.yield
    }) : () -> ()
    %mul3A_52 = arith.constant 624 : i32
    %mul3A_53 = arith.muli %arg1, %mul3A_52 : i32
    %add3A_54 = arith.constant 480 : i32
    %add3A_55 = arith.addi %mul3A_53, %add3A_54 : i32
    "tpu.region"() ({
      %run_scoped3A = tpu.sem_alloc : memref<!tpu.dma_semaphore, #tpu.memory_space<semaphore_mem>>
      %dma_start3A_179 = arith.constant 0 : i32
      %dma_start3A_180 = tpu.memref_slice %arg6[%add3A_55, %dma_start3A_179] : memref<10000x144xf32, #tpu.memory_space<vmem_shared>> -> memref<48x144xf32, #tpu.memory_space<vmem_shared>>
      %dma_start3A_181 = arith.constant 0 : i32
      %dma_start3A_182 = tpu.memref_slice %arg6[%add3A_55, %dma_start3A_181] : memref<10000x144xf32, #tpu.memory_space<vmem_shared>> -> memref<48x144xf32, #tpu.memory_space<vmem_shared>>
      tpu.enqueue_dma source(%arg7 : memref<48x144xf32, #tpu.memory_space<vmem>>) target(%dma_start3A_182 : memref<48x144xf32, #tpu.memory_space<vmem_shared>>) target_semaphore(%run_scoped3A : memref<!tpu.dma_semaphore, #tpu.memory_space<semaphore_mem>>)
      %dma_wait3A_183 = arith.constant 0 : i32
      %dma_wait3A_184 = tpu.memref_slice %arg6[%add3A_55, %dma_wait3A_183] : memref<10000x144xf32, #tpu.memory_space<vmem_shared>> -> memref<48x144xf32, #tpu.memory_space<vmem_shared>>
      %dma_wait3A_185 = arith.constant 0 : i32
      %dma_wait3A_186 = tpu.memref_slice %arg6[%add3A_55, %dma_wait3A_185] : memref<10000x144xf32, #tpu.memory_space<vmem_shared>> -> memref<48x144xf32, #tpu.memory_space<vmem_shared>>
      tpu.wait_dma2 semaphore(%run_scoped3A : memref<!tpu.dma_semaphore, #tpu.memory_space<semaphore_mem>>) src(%arg7 : memref<48x144xf32, #tpu.memory_space<vmem>>) dst(%dma_wait3A_186 : memref<48x144xf32, #tpu.memory_space<vmem_shared>>)
      tpu.yield
    }) : () -> ()
    %mul3A_56 = arith.constant 624 : i32
    %mul3A_57 = arith.muli %arg1, %mul3A_56 : i32
    %add3A_58 = arith.constant 528 : i32
    %add3A_59 = arith.addi %mul3A_57, %add3A_58 : i32
    "tpu.region"() ({
      %run_scoped3A = tpu.sem_alloc : memref<!tpu.dma_semaphore, #tpu.memory_space<semaphore_mem>>
      %dma_start3A_179 = arith.constant 0 : i32
      %dma_start3A_180 = tpu.memref_slice %arg6[%add3A_59, %dma_start3A_179] : memref<10000x144xf32, #tpu.memory_space<vmem_shared>> -> memref<48x144xf32, #tpu.memory_space<vmem_shared>>
      %dma_start3A_181 = arith.constant 0 : i32
      %dma_start3A_182 = tpu.memref_slice %arg6[%add3A_59, %dma_start3A_181] : memref<10000x144xf32, #tpu.memory_space<vmem_shared>> -> memref<48x144xf32, #tpu.memory_space<vmem_shared>>
      tpu.enqueue_dma source(%arg7 : memref<48x144xf32, #tpu.memory_space<vmem>>) target(%dma_start3A_182 : memref<48x144xf32, #tpu.memory_space<vmem_shared>>) target_semaphore(%run_scoped3A : memref<!tpu.dma_semaphore, #tpu.memory_space<semaphore_mem>>)
      %dma_wait3A_183 = arith.constant 0 : i32
      %dma_wait3A_184 = tpu.memref_slice %arg6[%add3A_59, %dma_wait3A_183] : memref<10000x144xf32, #tpu.memory_space<vmem_shared>> -> memref<48x144xf32, #tpu.memory_space<vmem_shared>>
      %dma_wait3A_185 = arith.constant 0 : i32
      %dma_wait3A_186 = tpu.memref_slice %arg6[%add3A_59, %dma_wait3A_185] : memref<10000x144xf32, #tpu.memory_space<vmem_shared>> -> memref<48x144xf32, #tpu.memory_space<vmem_shared>>
      tpu.wait_dma2 semaphore(%run_scoped3A : memref<!tpu.dma_semaphore, #tpu.memory_space<semaphore_mem>>) src(%arg7 : memref<48x144xf32, #tpu.memory_space<vmem>>) dst(%dma_wait3A_186 : memref<48x144xf32, #tpu.memory_space<vmem_shared>>)
      tpu.yield
    }) : () -> ()
    %mul3A_60 = arith.constant 624 : i32
    %mul3A_61 = arith.muli %arg1, %mul3A_60 : i32
    %add3A_62 = arith.constant 576 : i32
    %add3A_63 = arith.addi %mul3A_61, %add3A_62 : i32
    "tpu.region"() ({
      %run_scoped3A = tpu.sem_alloc : memref<!tpu.dma_semaphore, #tpu.memory_space<semaphore_mem>>
      %dma_start3A_179 = arith.constant 0 : i32
      %dma_start3A_180 = tpu.memref_slice %arg6[%add3A_63, %dma_start3A_179] : memref<10000x144xf32, #tpu.memory_space<vmem_shared>> -> memref<48x144xf32, #tpu.memory_space<vmem_shared>>
      %dma_start3A_181 = arith.constant 0 : i32
      %dma_start3A_182 = tpu.memref_slice %arg6[%add3A_63, %dma_start3A_181] : memref<10000x144xf32, #tpu.memory_space<vmem_shared>> -> memref<48x144xf32, #tpu.memory_space<vmem_shared>>
      tpu.enqueue_dma source(%arg7 : memref<48x144xf32, #tpu.memory_space<vmem>>) target(%dma_start3A_182 : memref<48x144xf32, #tpu.memory_space<vmem_shared>>) target_semaphore(%run_scoped3A : memref<!tpu.dma_semaphore, #tpu.memory_space<semaphore_mem>>)
      %dma_wait3A_183 = arith.constant 0 : i32
      %dma_wait3A_184 = tpu.memref_slice %arg6[%add3A_63, %dma_wait3A_183] : memref<10000x144xf32, #tpu.memory_space<vmem_shared>> -> memref<48x144xf32, #tpu.memory_space<vmem_shared>>
      %dma_wait3A_185 = arith.constant 0 : i32
      %dma_wait3A_186 = tpu.memref_slice %arg6[%add3A_63, %dma_wait3A_185] : memref<10000x144xf32, #tpu.memory_space<vmem_shared>> -> memref<48x144xf32, #tpu.memory_space<vmem_shared>>
      tpu.wait_dma2 semaphore(%run_scoped3A : memref<!tpu.dma_semaphore, #tpu.memory_space<semaphore_mem>>) src(%arg7 : memref<48x144xf32, #tpu.memory_space<vmem>>) dst(%dma_wait3A_186 : memref<48x144xf32, #tpu.memory_space<vmem_shared>>)
      tpu.yield
    }) : () -> ()
    %eq3A = arith.constant 0 : i32
    %eq3A_64 = arith.cmpi eq, %arg1, %eq3A : i32
    %convert_element_type3A = arith.extui %eq3A_64 : i1 to i32
    %cond3A = arith.constant 0 : i32
    %cond3A_65 = arith.cmpi ne, %convert_element_type3A, %cond3A : i32
    scf.if %cond3A_65 {
      "tpu.region"() ({
        %run_scoped3A = tpu.sem_alloc : memref<!tpu.dma_semaphore, #tpu.memory_space<semaphore_mem>>
        %dma_start3A_179 = arith.constant 0 : i32
        %dma_start3A_180 = arith.constant 0 : i32
        %dma_start3A_181 = tpu.memref_slice %arg7[%dma_start3A_179, %dma_start3A_180] : memref<48x144xf32, #tpu.memory_space<vmem>> -> memref<16x144xf32, #tpu.memory_space<vmem>>
        %dma_start3A_182 = arith.constant 9984 : i32
        %dma_start3A_183 = arith.constant 0 : i32
        %dma_start3A_184 = tpu.memref_slice %arg6[%dma_start3A_182, %dma_start3A_183] : memref<10000x144xf32, #tpu.memory_space<vmem_shared>> -> memref<16x144xf32, #tpu.memory_space<vmem_shared>>
        %dma_start3A_185 = arith.constant 9984 : i32
        %dma_start3A_186 = arith.constant 0 : i32
        %dma_start3A_187 = tpu.memref_slice %arg6[%dma_start3A_185, %dma_start3A_186] : memref<10000x144xf32, #tpu.memory_space<vmem_shared>> -> memref<16x144xf32, #tpu.memory_space<vmem_shared>>
        %dma_start3A_188 = arith.constant 0 : i32
        %dma_start3A_189 = arith.constant 0 : i32
        %dma_start3A_190 = tpu.memref_slice %arg7[%dma_start3A_188, %dma_start3A_189] : memref<48x144xf32, #tpu.memory_space<vmem>> -> memref<16x144xf32, #tpu.memory_space<vmem>>
        tpu.enqueue_dma source(%dma_start3A_190 : memref<16x144xf32, #tpu.memory_space<vmem>>) target(%dma_start3A_187 : memref<16x144xf32, #tpu.memory_space<vmem_shared>>) target_semaphore(%run_scoped3A : memref<!tpu.dma_semaphore, #tpu.memory_space<semaphore_mem>>)
        %dma_wait3A_191 = arith.constant 0 : i32
        %dma_wait3A_192 = arith.constant 0 : i32
        %dma_wait3A_193 = tpu.memref_slice %arg7[%dma_wait3A_191, %dma_wait3A_192] : memref<48x144xf32, #tpu.memory_space<vmem>> -> memref<16x144xf32, #tpu.memory_space<vmem>>
        %dma_wait3A_194 = arith.constant 9984 : i32
        %dma_wait3A_195 = arith.constant 0 : i32
        %dma_wait3A_196 = tpu.memref_slice %arg6[%dma_wait3A_194, %dma_wait3A_195] : memref<10000x144xf32, #tpu.memory_space<vmem_shared>> -> memref<16x144xf32, #tpu.memory_space<vmem_shared>>
        %dma_wait3A_197 = arith.constant 9984 : i32
        %dma_wait3A_198 = arith.constant 0 : i32
        %dma_wait3A_199 = tpu.memref_slice %arg6[%dma_wait3A_197, %dma_wait3A_198] : memref<10000x144xf32, #tpu.memory_space<vmem_shared>> -> memref<16x144xf32, #tpu.memory_space<vmem_shared>>
        %dma_wait3A_200 = arith.constant 0 : i32
        %dma_wait3A_201 = arith.constant 0 : i32
        %dma_wait3A_202 = tpu.memref_slice %arg7[%dma_wait3A_200, %dma_wait3A_201] : memref<48x144xf32, #tpu.memory_space<vmem>> -> memref<16x144xf32, #tpu.memory_space<vmem>>
        tpu.wait_dma2 semaphore(%run_scoped3A : memref<!tpu.dma_semaphore, #tpu.memory_space<semaphore_mem>>) src(%dma_wait3A_202 : memref<16x144xf32, #tpu.memory_space<vmem>>) dst(%dma_wait3A_199 : memref<16x144xf32, #tpu.memory_space<vmem_shared>>)
        tpu.yield
      }) : () -> ()
    } else {
    }
    %barrier3A = arith.constant 0 : index
    tpu.barrier barrier_id(%barrier3A)
    %get3A = arith.constant 0 : index
    %get3A_66 = tpu.vector_load %arg8[%get3A] {strides = array<i32>} : memref<10000xi32, #tpu.memory_space<vmem>>, vector<16xi32>,
    %get3A_67 = vector.shape_cast %get3A_66 : vector<16xi32> to vector<16xi32>
    %and3A = arith.constant 16383 : i32
    %and3A_68 = vector.broadcast %and3A : i32 to vector<16xi32>
    %and3A_69 = arith.andi %get3A_67, %and3A_68 : vector<16xi32>
    %swap3A = arith.constant 0 : index
    %swap3A_70 = tpu.vector_load %arg9[%swap3A] {strides = array<i32>} : memref<80xi32, #tpu.memory_space<vmem>>, vector<16xi32>,
    %swap3A_71 = vector.shape_cast %swap3A_70 : vector<16xi32> to vector<16xi32>
    %swap3A_72 = vector.shape_cast %and3A_69 : vector<16xi32> to vector<16xi32>
    tpu.vector_store %arg9[%swap3A], %swap3A_72 {strides = array<i32>} : memref<80xi32, #tpu.memory_space<vmem>>, vector<16xi32>,
    %shift_right_logical3A = arith.constant 14 : i32
    %shift_right_logical3A_73 = vector.broadcast %shift_right_logical3A : i32 to vector<16xi32>
    %shift_right_logical3A_74 = arith.shrui %get3A_67, %shift_right_logical3A_73 : vector<16xi32>
    %swap3A_75 = arith.constant 0 : index
    %swap3A_76 = tpu.vector_load %arg11[%swap3A_75] {strides = array<i32>} : memref<80xi32, #tpu.memory_space<vmem>>, vector<16xi32>,
    %swap3A_77 = vector.shape_cast %swap3A_76 : vector<16xi32> to vector<16xi32>
    %swap3A_78 = vector.shape_cast %shift_right_logical3A_74 : vector<16xi32> to vector<16xi32>
    tpu.vector_store %arg11[%swap3A_75], %swap3A_78 {strides = array<i32>} : memref<80xi32, #tpu.memory_space<vmem>>, vector<16xi32>,
    %get3A_79 = arith.constant 16 : index
    %get3A_80 = tpu.vector_load %arg8[%get3A_79] {strides = array<i32>} : memref<10000xi32, #tpu.memory_space<vmem>>, vector<16xi32>,
    %get3A_81 = vector.shape_cast %get3A_80 : vector<16xi32> to vector<16xi32>
    %and3A_82 = arith.constant 16383 : i32
    %and3A_83 = vector.broadcast %and3A_82 : i32 to vector<16xi32>
    %and3A_84 = arith.andi %get3A_81, %and3A_83 : vector<16xi32>
    %swap3A_85 = arith.constant 16 : index
    %swap3A_86 = tpu.vector_load %arg9[%swap3A_85] {strides = array<i32>} : memref<80xi32, #tpu.memory_space<vmem>>, vector<16xi32>,
    %swap3A_87 = vector.shape_cast %swap3A_86 : vector<16xi32> to vector<16xi32>
    %swap3A_88 = vector.shape_cast %and3A_84 : vector<16xi32> to vector<16xi32>
    tpu.vector_store %arg9[%swap3A_85], %swap3A_88 {strides = array<i32>} : memref<80xi32, #tpu.memory_space<vmem>>, vector<16xi32>,
    %shift_right_logical3A_89 = arith.constant 14 : i32
    %shift_right_logical3A_90 = vector.broadcast %shift_right_logical3A_89 : i32 to vector<16xi32>
    %shift_right_logical3A_91 = arith.shrui %get3A_81, %shift_right_logical3A_90 : vector<16xi32>
    %swap3A_92 = arith.constant 16 : index
    %swap3A_93 = tpu.vector_load %arg11[%swap3A_92] {strides = array<i32>} : memref<80xi32, #tpu.memory_space<vmem>>, vector<16xi32>,
    %swap3A_94 = vector.shape_cast %swap3A_93 : vector<16xi32> to vector<16xi32>
    %swap3A_95 = vector.shape_cast %shift_right_logical3A_91 : vector<16xi32> to vector<16xi32>
    tpu.vector_store %arg11[%swap3A_92], %swap3A_95 {strides = array<i32>} : memref<80xi32, #tpu.memory_space<vmem>>, vector<16xi32>,
    %get3A_96 = arith.constant 32 : index
    %get3A_97 = tpu.vector_load %arg8[%get3A_96] {strides = array<i32>} : memref<10000xi32, #tpu.memory_space<vmem>>, vector<16xi32>,
    %get3A_98 = vector.shape_cast %get3A_97 : vector<16xi32> to vector<16xi32>
    %and3A_99 = arith.constant 16383 : i32
    %and3A_100 = vector.broadcast %and3A_99 : i32 to vector<16xi32>
    %and3A_101 = arith.andi %get3A_98, %and3A_100 : vector<16xi32>
    %swap3A_102 = arith.constant 32 : index
    %swap3A_103 = tpu.vector_load %arg9[%swap3A_102] {strides = array<i32>} : memref<80xi32, #tpu.memory_space<vmem>>, vector<16xi32>,
    %swap3A_104 = vector.shape_cast %swap3A_103 : vector<16xi32> to vector<16xi32>
    %swap3A_105 = vector.shape_cast %and3A_101 : vector<16xi32> to vector<16xi32>
    tpu.vector_store %arg9[%swap3A_102], %swap3A_105 {strides = array<i32>} : memref<80xi32, #tpu.memory_space<vmem>>, vector<16xi32>,
    %shift_right_logical3A_106 = arith.constant 14 : i32
    %shift_right_logical3A_107 = vector.broadcast %shift_right_logical3A_106 : i32 to vector<16xi32>
    %shift_right_logical3A_108 = arith.shrui %get3A_98, %shift_right_logical3A_107 : vector<16xi32>
    %swap3A_109 = arith.constant 32 : index
    %swap3A_110 = tpu.vector_load %arg11[%swap3A_109] {strides = array<i32>} : memref<80xi32, #tpu.memory_space<vmem>>, vector<16xi32>,
    %swap3A_111 = vector.shape_cast %swap3A_110 : vector<16xi32> to vector<16xi32>
    %swap3A_112 = vector.shape_cast %shift_right_logical3A_108 : vector<16xi32> to vector<16xi32>
    tpu.vector_store %arg11[%swap3A_109], %swap3A_112 {strides = array<i32>} : memref<80xi32, #tpu.memory_space<vmem>>, vector<16xi32>,
    %get3A_113 = arith.constant 48 : index
    %get3A_114 = tpu.vector_load %arg8[%get3A_113] {strides = array<i32>} : memref<10000xi32, #tpu.memory_space<vmem>>, vector<16xi32>,
    %get3A_115 = vector.shape_cast %get3A_114 : vector<16xi32> to vector<16xi32>
    %and3A_116 = arith.constant 16383 : i32
    %and3A_117 = vector.broadcast %and3A_116 : i32 to vector<16xi32>
    %and3A_118 = arith.andi %get3A_115, %and3A_117 : vector<16xi32>
    %swap3A_119 = arith.constant 48 : index
    %swap3A_120 = tpu.vector_load %arg9[%swap3A_119] {strides = array<i32>} : memref<80xi32, #tpu.memory_space<vmem>>, vector<16xi32>,
    %swap3A_121 = vector.shape_cast %swap3A_120 : vector<16xi32> to vector<16xi32>
    %swap3A_122 = vector.shape_cast %and3A_118 : vector<16xi32> to vector<16xi32>
    tpu.vector_store %arg9[%swap3A_119], %swap3A_122 {strides = array<i32>} : memref<80xi32, #tpu.memory_space<vmem>>, vector<16xi32>,
    %shift_right_logical3A_123 = arith.constant 14 : i32
    %shift_right_logical3A_124 = vector.broadcast %shift_right_logical3A_123 : i32 to vector<16xi32>
    %shift_right_logical3A_125 = arith.shrui %get3A_115, %shift_right_logical3A_124 : vector<16xi32>
    %swap3A_126 = arith.constant 48 : index
    %swap3A_127 = tpu.vector_load %arg11[%swap3A_126] {strides = array<i32>} : memref<80xi32, #tpu.memory_space<vmem>>, vector<16xi32>,
    %swap3A_128 = vector.shape_cast %swap3A_127 : vector<16xi32> to vector<16xi32>
    %swap3A_129 = vector.shape_cast %shift_right_logical3A_125 : vector<16xi32> to vector<16xi32>
    tpu.vector_store %arg11[%swap3A_126], %swap3A_129 {strides = array<i32>} : memref<80xi32, #tpu.memory_space<vmem>>, vector<16xi32>,
    %get3A_130 = arith.constant 64 : index
    %get3A_131 = tpu.vector_load %arg8[%get3A_130] {strides = array<i32>} : memref<10000xi32, #tpu.memory_space<vmem>>, vector<16xi32>,
    %get3A_132 = vector.shape_cast %get3A_131 : vector<16xi32> to vector<16xi32>
    %and3A_133 = arith.constant 16383 : i32
    %and3A_134 = vector.broadcast %and3A_133 : i32 to vector<16xi32>
    %and3A_135 = arith.andi %get3A_132, %and3A_134 : vector<16xi32>
    %swap3A_136 = arith.constant 64 : index
    %swap3A_137 = tpu.vector_load %arg9[%swap3A_136] {strides = array<i32>} : memref<80xi32, #tpu.memory_space<vmem>>, vector<16xi32>,
    %swap3A_138 = vector.shape_cast %swap3A_137 : vector<16xi32> to vector<16xi32>
    %swap3A_139 = vector.shape_cast %and3A_135 : vector<16xi32> to vector<16xi32>
    tpu.vector_store %arg9[%swap3A_136], %swap3A_139 {strides = array<i32>} : memref<80xi32, #tpu.memory_space<vmem>>, vector<16xi32>,
    %shift_right_logical3A_140 = arith.constant 14 : i32
    %shift_right_logical3A_141 = vector.broadcast %shift_right_logical3A_140 : i32 to vector<16xi32>
    %shift_right_logical3A_142 = arith.shrui %get3A_132, %shift_right_logical3A_141 : vector<16xi32>
    %swap3A_143 = arith.constant 64 : index
    %swap3A_144 = tpu.vector_load %arg11[%swap3A_143] {strides = array<i32>} : memref<80xi32, #tpu.memory_space<vmem>>, vector<16xi32>,
    %swap3A_145 = vector.shape_cast %swap3A_144 : vector<16xi32> to vector<16xi32>
    %swap3A_146 = vector.shape_cast %shift_right_logical3A_142 : vector<16xi32> to vector<16xi32>
    tpu.vector_store %arg11[%swap3A_143], %swap3A_146 {strides = array<i32>} : memref<80xi32, #tpu.memory_space<vmem>>, vector<16xi32>,
    %dma_start3A_147 = arith.constant 0 : i32
    %dma_start3A_148 = arith.constant 0 : i32
    %dma_start3A_149 = tpu.memref_slice %arg2[%dma_start3A_147, %dma_start3A_148] : memref<10000x144xf32, #tpu.memory_space<hbm>> -> memref<10000x144xf32, #tpu.memory_space<hbm>>
    tpu.enqueue_indirect_dma source(%dma_start3A_149 : memref<10000x144xf32, #tpu.memory_space<hbm>>) target(%arg13 : memref<80x144xf32, #tpu.memory_space<vmem>>) offsets(%arg9 : memref<80xi32, #tpu.memory_space<vmem>>) semaphore(%arg15 : memref<!tpu.dma_semaphore, #tpu.memory_space<semaphore_mem>>)
    %scan3A_150 = arith.constant 0 : i32
    %scan3A_151 = arith.constant 0 : i32
    %scan3A_152 = arith.constant 62 : i32
    %scan3A_153 = arith.addi %scan3A_151, %scan3A_152 : i32
    %scan3A_154 = arith.constant 1 : i32
    scf.for %scan3A_179 = %scan3A_151 to %scan3A_153 step %scan3A_154  : i32 {
      %mul3A_180 = arith.constant 2 : i32
      %mul3A_181 = arith.muli %mul3A_180, %scan3A_179 : i32
      %add3A_182 = arith.constant 1 : i32
      %add3A_183 = arith.addi %mul3A_181, %add3A_182 : i32
      %mul3A_184 = arith.constant 80 : i32
      %mul3A_185 = arith.muli %add3A_183, %mul3A_184 : i32
      %add3A_186 = arith.constant 0 : i32
      %add3A_187 = arith.addi %mul3A_185, %add3A_186 : i32
      %get3A_188 = arith.index_cast %add3A_187 : i32 to index
      %get3A_189 = tpu.vector_load %arg8[%get3A_188] {strides = array<i32>} : memref<10000xi32, #tpu.memory_space<vmem>>, vector<16xi32>,
      %get3A_190 = vector.shape_cast %get3A_189 : vector<16xi32> to vector<16xi32>
      %and3A_191 = arith.constant 16383 : i32
      %and3A_192 = vector.broadcast %and3A_191 : i32 to vector<16xi32>
      %and3A_193 = arith.andi %get3A_190, %and3A_192 : vector<16xi32>
      %swap3A_194 = arith.constant 0 : index
      %swap3A_195 = tpu.vector_load %arg10[%swap3A_194] {strides = array<i32>} : memref<80xi32, #tpu.memory_space<vmem>>, vector<16xi32>,
      %swap3A_196 = vector.shape_cast %swap3A_195 : vector<16xi32> to vector<16xi32>
      %swap3A_197 = vector.shape_cast %and3A_193 : vector<16xi32> to vector<16xi32>
      tpu.vector_store %arg10[%swap3A_194], %swap3A_197 {strides = array<i32>} : memref<80xi32, #tpu.memory_space<vmem>>, vector<16xi32>,
      %shift_right_logical3A_198 = arith.constant 14 : i32
      %shift_right_logical3A_199 = vector.broadcast %shift_right_logical3A_198 : i32 to vector<16xi32>
      %shift_right_logical3A_200 = arith.shrui %get3A_190, %shift_right_logical3A_199 : vector<16xi32>
      %swap3A_201 = arith.constant 0 : index
      %swap3A_202 = tpu.vector_load %arg12[%swap3A_201] {strides = array<i32>} : memref<80xi32, #tpu.memory_space<vmem>>, vector<16xi32>,
      %swap3A_203 = vector.shape_cast %swap3A_202 : vector<16xi32> to vector<16xi32>
      %swap3A_204 = vector.shape_cast %shift_right_logical3A_200 : vector<16xi32> to vector<16xi32>
      tpu.vector_store %arg12[%swap3A_201], %swap3A_204 {strides = array<i32>} : memref<80xi32, #tpu.memory_space<vmem>>, vector<16xi32>,
      %mul3A_205 = arith.constant 80 : i32
      %mul3A_206 = arith.muli %add3A_183, %mul3A_205 : i32
      %add3A_207 = arith.constant 16 : i32
      %add3A_208 = arith.addi %mul3A_206, %add3A_207 : i32
      %get3A_209 = arith.index_cast %add3A_208 : i32 to index
      %get3A_210 = tpu.vector_load %arg8[%get3A_209] {strides = array<i32>} : memref<10000xi32, #tpu.memory_space<vmem>>, vector<16xi32>,
      %get3A_211 = vector.shape_cast %get3A_210 : vector<16xi32> to vector<16xi32>
      %and3A_212 = arith.constant 16383 : i32
      %and3A_213 = vector.broadcast %and3A_212 : i32 to vector<16xi32>
      %and3A_214 = arith.andi %get3A_211, %and3A_213 : vector<16xi32>
      %swap3A_215 = arith.constant 16 : index
      %swap3A_216 = tpu.vector_load %arg10[%swap3A_215] {strides = array<i32>} : memref<80xi32, #tpu.memory_space<vmem>>, vector<16xi32>,
      %swap3A_217 = vector.shape_cast %swap3A_216 : vector<16xi32> to vector<16xi32>
      %swap3A_218 = vector.shape_cast %and3A_214 : vector<16xi32> to vector<16xi32>
      tpu.vector_store %arg10[%swap3A_215], %swap3A_218 {strides = array<i32>} : memref<80xi32, #tpu.memory_space<vmem>>, vector<16xi32>,
      %shift_right_logical3A_219 = arith.constant 14 : i32
      %shift_right_logical3A_220 = vector.broadcast %shift_right_logical3A_219 : i32 to vector<16xi32>
      %shift_right_logical3A_221 = arith.shrui %get3A_211, %shift_right_logical3A_220 : vector<16xi32>
      %swap3A_222 = arith.constant 16 : index
      %swap3A_223 = tpu.vector_load %arg12[%swap3A_222] {strides = array<i32>} : memref<80xi32, #tpu.memory_space<vmem>>, vector<16xi32>,
      %swap3A_224 = vector.shape_cast %swap3A_223 : vector<16xi32> to vector<16xi32>
      %swap3A_225 = vector.shape_cast %shift_right_logical3A_221 : vector<16xi32> to vector<16xi32>
      tpu.vector_store %arg12[%swap3A_222], %swap3A_225 {strides = array<i32>} : memref<80xi32, #tpu.memory_space<vmem>>, vector<16xi32>,
      %mul3A_226 = arith.constant 80 : i32
      %mul3A_227 = arith.muli %add3A_183, %mul3A_226 : i32
      %add3A_228 = arith.constant 32 : i32
      %add3A_229 = arith.addi %mul3A_227, %add3A_228 : i32
      %get3A_230 = arith.index_cast %add3A_229 : i32 to index
      %get3A_231 = tpu.vector_load %arg8[%get3A_230] {strides = array<i32>} : memref<10000xi32, #tpu.memory_space<vmem>>, vector<16xi32>,
      %get3A_232 = vector.shape_cast %get3A_231 : vector<16xi32> to vector<16xi32>
      %and3A_233 = arith.constant 16383 : i32
      %and3A_234 = vector.broadcast %and3A_233 : i32 to vector<16xi32>
      %and3A_235 = arith.andi %get3A_232, %and3A_234 : vector<16xi32>
      %swap3A_236 = arith.constant 32 : index
      %swap3A_237 = tpu.vector_load %arg10[%swap3A_236] {strides = array<i32>} : memref<80xi32, #tpu.memory_space<vmem>>, vector<16xi32>,
      %swap3A_238 = vector.shape_cast %swap3A_237 : vector<16xi32> to vector<16xi32>
      %swap3A_239 = vector.shape_cast %and3A_235 : vector<16xi32> to vector<16xi32>
      tpu.vector_store %arg10[%swap3A_236], %swap3A_239 {strides = array<i32>} : memref<80xi32, #tpu.memory_space<vmem>>, vector<16xi32>,
      %shift_right_logical3A_240 = arith.constant 14 : i32
      %shift_right_logical3A_241 = vector.broadcast %shift_right_logical3A_240 : i32 to vector<16xi32>
      %shift_right_logical3A_242 = arith.shrui %get3A_232, %shift_right_logical3A_241 : vector<16xi32>
      %swap3A_243 = arith.constant 32 : index
      %swap3A_244 = tpu.vector_load %arg12[%swap3A_243] {strides = array<i32>} : memref<80xi32, #tpu.memory_space<vmem>>, vector<16xi32>,
      %swap3A_245 = vector.shape_cast %swap3A_244 : vector<16xi32> to vector<16xi32>
      %swap3A_246 = vector.shape_cast %shift_right_logical3A_242 : vector<16xi32> to vector<16xi32>
      tpu.vector_store %arg12[%swap3A_243], %swap3A_246 {strides = array<i32>} : memref<80xi32, #tpu.memory_space<vmem>>, vector<16xi32>,
      %mul3A_247 = arith.constant 80 : i32
      %mul3A_248 = arith.muli %add3A_183, %mul3A_247 : i32
      %add3A_249 = arith.constant 48 : i32
      %add3A_250 = arith.addi %mul3A_248, %add3A_249 : i32
      %get3A_251 = arith.index_cast %add3A_250 : i32 to index
      %get3A_252 = tpu.vector_load %arg8[%get3A_251] {strides = array<i32>} : memref<10000xi32, #tpu.memory_space<vmem>>, vector<16xi32>,
      %get3A_253 = vector.shape_cast %get3A_252 : vector<16xi32> to vector<16xi32>
      %and3A_254 = arith.constant 16383 : i32
      %and3A_255 = vector.broadcast %and3A_254 : i32 to vector<16xi32>
      %and3A_256 = arith.andi %get3A_253, %and3A_255 : vector<16xi32>
      %swap3A_257 = arith.constant 48 : index
      %swap3A_258 = tpu.vector_load %arg10[%swap3A_257] {strides = array<i32>} : memref<80xi32, #tpu.memory_space<vmem>>, vector<16xi32>,
      %swap3A_259 = vector.shape_cast %swap3A_258 : vector<16xi32> to vector<16xi32>
      %swap3A_260 = vector.shape_cast %and3A_256 : vector<16xi32> to vector<16xi32>
      tpu.vector_store %arg10[%swap3A_257], %swap3A_260 {strides = array<i32>} : memref<80xi32, #tpu.memory_space<vmem>>, vector<16xi32>,
      %shift_right_logical3A_261 = arith.constant 14 : i32
      %shift_right_logical3A_262 = vector.broadcast %shift_right_logical3A_261 : i32 to vector<16xi32>
      %shift_right_logical3A_263 = arith.shrui %get3A_253, %shift_right_logical3A_262 : vector<16xi32>
      %swap3A_264 = arith.constant 48 : index
      %swap3A_265 = tpu.vector_load %arg12[%swap3A_264] {strides = array<i32>} : memref<80xi32, #tpu.memory_space<vmem>>, vector<16xi32>,
      %swap3A_266 = vector.shape_cast %swap3A_265 : vector<16xi32> to vector<16xi32>
      %swap3A_267 = vector.shape_cast %shift_right_logical3A_263 : vector<16xi32> to vector<16xi32>
      tpu.vector_store %arg12[%swap3A_264], %swap3A_267 {strides = array<i32>} : memref<80xi32, #tpu.memory_space<vmem>>, vector<16xi32>,
      %mul3A_268 = arith.constant 80 : i32
      %mul3A_269 = arith.muli %add3A_183, %mul3A_268 : i32
      %add3A_270 = arith.constant 64 : i32
      %add3A_271 = arith.addi %mul3A_269, %add3A_270 : i32
      %get3A_272 = arith.index_cast %add3A_271 : i32 to index
      %get3A_273 = tpu.vector_load %arg8[%get3A_272] {strides = array<i32>} : memref<10000xi32, #tpu.memory_space<vmem>>, vector<16xi32>,
      %get3A_274 = vector.shape_cast %get3A_273 : vector<16xi32> to vector<16xi32>
      %and3A_275 = arith.constant 16383 : i32
      %and3A_276 = vector.broadcast %and3A_275 : i32 to vector<16xi32>
      %and3A_277 = arith.andi %get3A_274, %and3A_276 : vector<16xi32>
      %swap3A_278 = arith.constant 64 : index
      %swap3A_279 = tpu.vector_load %arg10[%swap3A_278] {strides = array<i32>} : memref<80xi32, #tpu.memory_space<vmem>>, vector<16xi32>,
      %swap3A_280 = vector.shape_cast %swap3A_279 : vector<16xi32> to vector<16xi32>
      %swap3A_281 = vector.shape_cast %and3A_277 : vector<16xi32> to vector<16xi32>
      tpu.vector_store %arg10[%swap3A_278], %swap3A_281 {strides = array<i32>} : memref<80xi32, #tpu.memory_space<vmem>>, vector<16xi32>,
      %shift_right_logical3A_282 = arith.constant 14 : i32
      %shift_right_logical3A_283 = vector.broadcast %shift_right_logical3A_282 : i32 to vector<16xi32>
      %shift_right_logical3A_284 = arith.shrui %get3A_274, %shift_right_logical3A_283 : vector<16xi32>
      %swap3A_285 = arith.constant 64 : index
      %swap3A_286 = tpu.vector_load %arg12[%swap3A_285] {strides = array<i32>} : memref<80xi32, #tpu.memory_space<vmem>>, vector<16xi32>,
      %swap3A_287 = vector.shape_cast %swap3A_286 : vector<16xi32> to vector<16xi32>
      %swap3A_288 = vector.shape_cast %shift_right_logical3A_284 : vector<16xi32> to vector<16xi32>
      tpu.vector_store %arg12[%swap3A_285], %swap3A_288 {strides = array<i32>} : memref<80xi32, #tpu.memory_space<vmem>>, vector<16xi32>,
      %dma_start3A_289 = arith.constant 0 : i32
      %dma_start3A_290 = arith.constant 0 : i32
      %dma_start3A_291 = tpu.memref_slice %arg2[%dma_start3A_289, %dma_start3A_290] : memref<10000x144xf32, #tpu.memory_space<hbm>> -> memref<10000x144xf32, #tpu.memory_space<hbm>>
      tpu.enqueue_indirect_dma source(%dma_start3A_291 : memref<10000x144xf32, #tpu.memory_space<hbm>>) target(%arg14 : memref<80x144xf32, #tpu.memory_space<vmem>>) offsets(%arg10 : memref<80xi32, #tpu.memory_space<vmem>>) semaphore(%arg16 : memref<!tpu.dma_semaphore, #tpu.memory_space<semaphore_mem>>)
      %dma_wait3A_292 = arith.constant 0 : i32
      %dma_wait3A_293 = arith.constant 0 : i32
      %dma_wait3A_294 = tpu.memref_slice %arg2[%dma_wait3A_292, %dma_wait3A_293] : memref<10000x144xf32, #tpu.memory_space<hbm>> -> memref<10000x144xf32, #tpu.memory_space<hbm>>
      tpu.wait_indirect_dma semaphore(%arg15 : memref<!tpu.dma_semaphore, #tpu.memory_space<semaphore_mem>>) src(%dma_wait3A_294 : memref<10000x144xf32, #tpu.memory_space<hbm>>) dst(%arg13 : memref<80x144xf32, #tpu.memory_space<vmem>>)
      "tpu.region"() ({
        %run_scoped3A = tpu.sem_alloc : memref<!tpu.dma_semaphore, #tpu.memory_space<semaphore_mem>>
        %dma_start3A_410 = arith.constant 0 : i32
        %dma_start3A_411 = arith.constant 0 : i32
        %dma_start3A_412 = tpu.memref_slice %arg6[%dma_start3A_410, %dma_start3A_411] : memref<10000x144xf32, #tpu.memory_space<vmem_shared>> -> memref<10000x144xf32, #tpu.memory_space<vmem_shared>>
        tpu.enqueue_indirect_dma source(%arg13 : memref<80x144xf32, #tpu.memory_space<vmem>>) target(%dma_start3A_412 : memref<10000x144xf32, #tpu.memory_space<vmem_shared>>) offsets(%arg11 : memref<80xi32, #tpu.memory_space<vmem>>) semaphore(%run_scoped3A : memref<!tpu.dma_semaphore, #tpu.memory_space<semaphore_mem>>) {add = true}
        %dma_wait3A_413 = arith.constant 0 : i32
        %dma_wait3A_414 = arith.constant 0 : i32
        %dma_wait3A_415 = tpu.memref_slice %arg6[%dma_wait3A_413, %dma_wait3A_414] : memref<10000x144xf32, #tpu.memory_space<vmem_shared>> -> memref<10000x144xf32, #tpu.memory_space<vmem_shared>>
        tpu.wait_indirect_dma semaphore(%run_scoped3A : memref<!tpu.dma_semaphore, #tpu.memory_space<semaphore_mem>>) src(%arg13 : memref<80x144xf32, #tpu.memory_space<vmem>>) dst(%dma_wait3A_415 : memref<10000x144xf32, #tpu.memory_space<vmem_shared>>)
        tpu.yield
      }) : () -> ()
      %mul3A_295 = arith.constant 2 : i32
      %mul3A_296 = arith.muli %mul3A_295, %scan3A_179 : i32
      %add3A_297 = arith.constant 2 : i32
      %add3A_298 = arith.addi %mul3A_296, %add3A_297 : i32
      %mul3A_299 = arith.constant 80 : i32
      %mul3A_300 = arith.muli %add3A_298, %mul3A_299 : i32
      %add3A_301 = arith.constant 0 : i32
      %add3A_302 = arith.addi %mul3A_300, %add3A_301 : i32
      %get3A_303 = arith.index_cast %add3A_302 : i32 to index
      %get3A_304 = tpu.vector_load %arg8[%get3A_303] {strides = array<i32>} : memref<10000xi32, #tpu.memory_space<vmem>>, vector<16xi32>,
      %get3A_305 = vector.shape_cast %get3A_304 : vector<16xi32> to vector<16xi32>
      %and3A_306 = arith.constant 16383 : i32
      %and3A_307 = vector.broadcast %and3A_306 : i32 to vector<16xi32>
      %and3A_308 = arith.andi %get3A_305, %and3A_307 : vector<16xi32>
      %swap3A_309 = arith.constant 0 : index
      %swap3A_310 = tpu.vector_load %arg9[%swap3A_309] {strides = array<i32>} : memref<80xi32, #tpu.memory_space<vmem>>, vector<16xi32>,
      %swap3A_311 = vector.shape_cast %swap3A_310 : vector<16xi32> to vector<16xi32>
      %swap3A_312 = vector.shape_cast %and3A_308 : vector<16xi32> to vector<16xi32>
      tpu.vector_store %arg9[%swap3A_309], %swap3A_312 {strides = array<i32>} : memref<80xi32, #tpu.memory_space<vmem>>, vector<16xi32>,
      %shift_right_logical3A_313 = arith.constant 14 : i32
      %shift_right_logical3A_314 = vector.broadcast %shift_right_logical3A_313 : i32 to vector<16xi32>
      %shift_right_logical3A_315 = arith.shrui %get3A_305, %shift_right_logical3A_314 : vector<16xi32>
      %swap3A_316 = arith.constant 0 : index
      %swap3A_317 = tpu.vector_load %arg11[%swap3A_316] {strides = array<i32>} : memref<80xi32, #tpu.memory_space<vmem>>, vector<16xi32>,
      %swap3A_318 = vector.shape_cast %swap3A_317 : vector<16xi32> to vector<16xi32>
      %swap3A_319 = vector.shape_cast %shift_right_logical3A_315 : vector<16xi32> to vector<16xi32>
      tpu.vector_store %arg11[%swap3A_316], %swap3A_319 {strides = array<i32>} : memref<80xi32, #tpu.memory_space<vmem>>, vector<16xi32>,
      %mul3A_320 = arith.constant 80 : i32
      %mul3A_321 = arith.muli %add3A_298, %mul3A_320 : i32
      %add3A_322 = arith.constant 16 : i32
      %add3A_323 = arith.addi %mul3A_321, %add3A_322 : i32
      %get3A_324 = arith.index_cast %add3A_323 : i32 to index
      %get3A_325 = tpu.vector_load %arg8[%get3A_324] {strides = array<i32>} : memref<10000xi32, #tpu.memory_space<vmem>>, vector<16xi32>,
      %get3A_326 = vector.shape_cast %get3A_325 : vector<16xi32> to vector<16xi32>
      %and3A_327 = arith.constant 16383 : i32
      %and3A_328 = vector.broadcast %and3A_327 : i32 to vector<16xi32>
      %and3A_329 = arith.andi %get3A_326, %and3A_328 : vector<16xi32>
      %swap3A_330 = arith.constant 16 : index
      %swap3A_331 = tpu.vector_load %arg9[%swap3A_330] {strides = array<i32>} : memref<80xi32, #tpu.memory_space<vmem>>, vector<16xi32>,
      %swap3A_332 = vector.shape_cast %swap3A_331 : vector<16xi32> to vector<16xi32>
      %swap3A_333 = vector.shape_cast %and3A_329 : vector<16xi32> to vector<16xi32>
      tpu.vector_store %arg9[%swap3A_330], %swap3A_333 {strides = array<i32>} : memref<80xi32, #tpu.memory_space<vmem>>, vector<16xi32>,
      %shift_right_logical3A_334 = arith.constant 14 : i32
      %shift_right_logical3A_335 = vector.broadcast %shift_right_logical3A_334 : i32 to vector<16xi32>
      %shift_right_logical3A_336 = arith.shrui %get3A_326, %shift_right_logical3A_335 : vector<16xi32>
      %swap3A_337 = arith.constant 16 : index
      %swap3A_338 = tpu.vector_load %arg11[%swap3A_337] {strides = array<i32>} : memref<80xi32, #tpu.memory_space<vmem>>, vector<16xi32>,
      %swap3A_339 = vector.shape_cast %swap3A_338 : vector<16xi32> to vector<16xi32>
      %swap3A_340 = vector.shape_cast %shift_right_logical3A_336 : vector<16xi32> to vector<16xi32>
      tpu.vector_store %arg11[%swap3A_337], %swap3A_340 {strides = array<i32>} : memref<80xi32, #tpu.memory_space<vmem>>, vector<16xi32>,
      %mul3A_341 = arith.constant 80 : i32
      %mul3A_342 = arith.muli %add3A_298, %mul3A_341 : i32
      %add3A_343 = arith.constant 32 : i32
      %add3A_344 = arith.addi %mul3A_342, %add3A_343 : i32
      %get3A_345 = arith.index_cast %add3A_344 : i32 to index
      %get3A_346 = tpu.vector_load %arg8[%get3A_345] {strides = array<i32>} : memref<10000xi32, #tpu.memory_space<vmem>>, vector<16xi32>,
      %get3A_347 = vector.shape_cast %get3A_346 : vector<16xi32> to vector<16xi32>
      %and3A_348 = arith.constant 16383 : i32
      %and3A_349 = vector.broadcast %and3A_348 : i32 to vector<16xi32>
      %and3A_350 = arith.andi %get3A_347, %and3A_349 : vector<16xi32>
      %swap3A_351 = arith.constant 32 : index
      %swap3A_352 = tpu.vector_load %arg9[%swap3A_351] {strides = array<i32>} : memref<80xi32, #tpu.memory_space<vmem>>, vector<16xi32>,
      %swap3A_353 = vector.shape_cast %swap3A_352 : vector<16xi32> to vector<16xi32>
      %swap3A_354 = vector.shape_cast %and3A_350 : vector<16xi32> to vector<16xi32>
      tpu.vector_store %arg9[%swap3A_351], %swap3A_354 {strides = array<i32>} : memref<80xi32, #tpu.memory_space<vmem>>, vector<16xi32>,
      %shift_right_logical3A_355 = arith.constant 14 : i32
      %shift_right_logical3A_356 = vector.broadcast %shift_right_logical3A_355 : i32 to vector<16xi32>
      %shift_right_logical3A_357 = arith.shrui %get3A_347, %shift_right_logical3A_356 : vector<16xi32>
      %swap3A_358 = arith.constant 32 : index
      %swap3A_359 = tpu.vector_load %arg11[%swap3A_358] {strides = array<i32>} : memref<80xi32, #tpu.memory_space<vmem>>, vector<16xi32>,
      %swap3A_360 = vector.shape_cast %swap3A_359 : vector<16xi32> to vector<16xi32>
      %swap3A_361 = vector.shape_cast %shift_right_logical3A_357 : vector<16xi32> to vector<16xi32>
      tpu.vector_store %arg11[%swap3A_358], %swap3A_361 {strides = array<i32>} : memref<80xi32, #tpu.memory_space<vmem>>, vector<16xi32>,
      %mul3A_362 = arith.constant 80 : i32
      %mul3A_363 = arith.muli %add3A_298, %mul3A_362 : i32
      %add3A_364 = arith.constant 48 : i32
      %add3A_365 = arith.addi %mul3A_363, %add3A_364 : i32
      %get3A_366 = arith.index_cast %add3A_365 : i32 to index
      %get3A_367 = tpu.vector_load %arg8[%get3A_366] {strides = array<i32>} : memref<10000xi32, #tpu.memory_space<vmem>>, vector<16xi32>,
      %get3A_368 = vector.shape_cast %get3A_367 : vector<16xi32> to vector<16xi32>
      %and3A_369 = arith.constant 16383 : i32
      %and3A_370 = vector.broadcast %and3A_369 : i32 to vector<16xi32>
      %and3A_371 = arith.andi %get3A_368, %and3A_370 : vector<16xi32>
      %swap3A_372 = arith.constant 48 : index
      %swap3A_373 = tpu.vector_load %arg9[%swap3A_372] {strides = array<i32>} : memref<80xi32, #tpu.memory_space<vmem>>, vector<16xi32>,
      %swap3A_374 = vector.shape_cast %swap3A_373 : vector<16xi32> to vector<16xi32>
      %swap3A_375 = vector.shape_cast %and3A_371 : vector<16xi32> to vector<16xi32>
      tpu.vector_store %arg9[%swap3A_372], %swap3A_375 {strides = array<i32>} : memref<80xi32, #tpu.memory_space<vmem>>, vector<16xi32>,
      %shift_right_logical3A_376 = arith.constant 14 : i32
      %shift_right_logical3A_377 = vector.broadcast %shift_right_logical3A_376 : i32 to vector<16xi32>
      %shift_right_logical3A_378 = arith.shrui %get3A_368, %shift_right_logical3A_377 : vector<16xi32>
      %swap3A_379 = arith.constant 48 : index
      %swap3A_380 = tpu.vector_load %arg11[%swap3A_379] {strides = array<i32>} : memref<80xi32, #tpu.memory_space<vmem>>, vector<16xi32>,
      %swap3A_381 = vector.shape_cast %swap3A_380 : vector<16xi32> to vector<16xi32>
      %swap3A_382 = vector.shape_cast %shift_right_logical3A_378 : vector<16xi32> to vector<16xi32>
      tpu.vector_store %arg11[%swap3A_379], %swap3A_382 {strides = array<i32>} : memref<80xi32, #tpu.memory_space<vmem>>, vector<16xi32>,
      %mul3A_383 = arith.constant 80 : i32
      %mul3A_384 = arith.muli %add3A_298, %mul3A_383 : i32
      %add3A_385 = arith.constant 64 : i32
      %add3A_386 = arith.addi %mul3A_384, %add3A_385 : i32
      %get3A_387 = arith.index_cast %add3A_386 : i32 to index
      %get3A_388 = tpu.vector_load %arg8[%get3A_387] {strides = array<i32>} : memref<10000xi32, #tpu.memory_space<vmem>>, vector<16xi32>,
      %get3A_389 = vector.shape_cast %get3A_388 : vector<16xi32> to vector<16xi32>
      %and3A_390 = arith.constant 16383 : i32
      %and3A_391 = vector.broadcast %and3A_390 : i32 to vector<16xi32>
      %and3A_392 = arith.andi %get3A_389, %and3A_391 : vector<16xi32>
      %swap3A_393 = arith.constant 64 : index
      %swap3A_394 = tpu.vector_load %arg9[%swap3A_393] {strides = array<i32>} : memref<80xi32, #tpu.memory_space<vmem>>, vector<16xi32>,
      %swap3A_395 = vector.shape_cast %swap3A_394 : vector<16xi32> to vector<16xi32>
      %swap3A_396 = vector.shape_cast %and3A_392 : vector<16xi32> to vector<16xi32>
      tpu.vector_store %arg9[%swap3A_393], %swap3A_396 {strides = array<i32>} : memref<80xi32, #tpu.memory_space<vmem>>, vector<16xi32>,
      %shift_right_logical3A_397 = arith.constant 14 : i32
      %shift_right_logical3A_398 = vector.broadcast %shift_right_logical3A_397 : i32 to vector<16xi32>
      %shift_right_logical3A_399 = arith.shrui %get3A_389, %shift_right_logical3A_398 : vector<16xi32>
      %swap3A_400 = arith.constant 64 : index
      %swap3A_401 = tpu.vector_load %arg11[%swap3A_400] {strides = array<i32>} : memref<80xi32, #tpu.memory_space<vmem>>, vector<16xi32>,
      %swap3A_402 = vector.shape_cast %swap3A_401 : vector<16xi32> to vector<16xi32>
      %swap3A_403 = vector.shape_cast %shift_right_logical3A_399 : vector<16xi32> to vector<16xi32>
      tpu.vector_store %arg11[%swap3A_400], %swap3A_403 {strides = array<i32>} : memref<80xi32, #tpu.memory_space<vmem>>, vector<16xi32>,
      %dma_start3A_404 = arith.constant 0 : i32
      %dma_start3A_405 = arith.constant 0 : i32
      %dma_start3A_406 = tpu.memref_slice %arg2[%dma_start3A_404, %dma_start3A_405] : memref<10000x144xf32, #tpu.memory_space<hbm>> -> memref<10000x144xf32, #tpu.memory_space<hbm>>
      tpu.enqueue_indirect_dma source(%dma_start3A_406 : memref<10000x144xf32, #tpu.memory_space<hbm>>) target(%arg13 : memref<80x144xf32, #tpu.memory_space<vmem>>) offsets(%arg9 : memref<80xi32, #tpu.memory_space<vmem>>) semaphore(%arg15 : memref<!tpu.dma_semaphore, #tpu.memory_space<semaphore_mem>>)
      %dma_wait3A_407 = arith.constant 0 : i32
      %dma_wait3A_408 = arith.constant 0 : i32
      %dma_wait3A_409 = tpu.memref_slice %arg2[%dma_wait3A_407, %dma_wait3A_408] : memref<10000x144xf32, #tpu.memory_space<hbm>> -> memref<10000x144xf32, #tpu.memory_space<hbm>>
      tpu.wait_indirect_dma semaphore(%arg16 : memref<!tpu.dma_semaphore, #tpu.memory_space<semaphore_mem>>) src(%dma_wait3A_409 : memref<10000x144xf32, #tpu.memory_space<hbm>>) dst(%arg14 : memref<80x144xf32, #tpu.memory_space<vmem>>)
      "tpu.region"() ({
        %run_scoped3A = tpu.sem_alloc : memref<!tpu.dma_semaphore, #tpu.memory_space<semaphore_mem>>
        %dma_start3A_410 = arith.constant 0 : i32
        %dma_start3A_411 = arith.constant 0 : i32
        %dma_start3A_412 = tpu.memref_slice %arg6[%dma_start3A_410, %dma_start3A_411] : memref<10000x144xf32, #tpu.memory_space<vmem_shared>> -> memref<10000x144xf32, #tpu.memory_space<vmem_shared>>
        tpu.enqueue_indirect_dma source(%arg14 : memref<80x144xf32, #tpu.memory_space<vmem>>) target(%dma_start3A_412 : memref<10000x144xf32, #tpu.memory_space<vmem_shared>>) offsets(%arg12 : memref<80xi32, #tpu.memory_space<vmem>>) semaphore(%run_scoped3A : memref<!tpu.dma_semaphore, #tpu.memory_space<semaphore_mem>>) {add = true}
        %dma_wait3A_413 = arith.constant 0 : i32
        %dma_wait3A_414 = arith.constant 0 : i32
        %dma_wait3A_415 = tpu.memref_slice %arg6[%dma_wait3A_413, %dma_wait3A_414] : memref<10000x144xf32, #tpu.memory_space<vmem_shared>> -> memref<10000x144xf32, #tpu.memory_space<vmem_shared>>
        tpu.wait_indirect_dma semaphore(%run_scoped3A : memref<!tpu.dma_semaphore, #tpu.memory_space<semaphore_mem>>) src(%arg14 : memref<80x144xf32, #tpu.memory_space<vmem>>) dst(%dma_wait3A_415 : memref<10000x144xf32, #tpu.memory_space<vmem_shared>>)
        tpu.yield
      }) : () -> ()
    }
    %scan3A_155 = arith.constant 62 : i32
    %dma_wait3A_156 = arith.constant 0 : i32
    %dma_wait3A_157 = arith.constant 0 : i32
    %dma_wait3A_158 = tpu.memref_slice %arg2[%dma_wait3A_156, %dma_wait3A_157] : memref<10000x144xf32, #tpu.memory_space<hbm>> -> memref<10000x144xf32, #tpu.memory_space<hbm>>
    tpu.wait_indirect_dma semaphore(%arg15 : memref<!tpu.dma_semaphore, #tpu.memory_space<semaphore_mem>>) src(%dma_wait3A_158 : memref<10000x144xf32, #tpu.memory_space<hbm>>) dst(%arg13 : memref<80x144xf32, #tpu.memory_space<vmem>>)
    "tpu.region"() ({
      %run_scoped3A = tpu.sem_alloc : memref<!tpu.dma_semaphore, #tpu.memory_space<semaphore_mem>>
      %dma_start3A_179 = arith.constant 0 : i32
      %dma_start3A_180 = arith.constant 0 : i32
      %dma_start3A_181 = tpu.memref_slice %arg6[%dma_start3A_179, %dma_start3A_180] : memref<10000x144xf32, #tpu.memory_space<vmem_shared>> -> memref<10000x144xf32, #tpu.memory_space<vmem_shared>>
      tpu.enqueue_indirect_dma source(%arg13 : memref<80x144xf32, #tpu.memory_space<vmem>>) target(%dma_start3A_181 : memref<10000x144xf32, #tpu.memory_space<vmem_shared>>) offsets(%arg11 : memref<80xi32, #tpu.memory_space<vmem>>) semaphore(%run_scoped3A : memref<!tpu.dma_semaphore, #tpu.memory_space<semaphore_mem>>) {add = true}
      %dma_wait3A_182 = arith.constant 0 : i32
      %dma_wait3A_183 = arith.constant 0 : i32
      %dma_wait3A_184 = tpu.memref_slice %arg6[%dma_wait3A_182, %dma_wait3A_183] : memref<10000x144xf32, #tpu.memory_space<vmem_shared>> -> memref<10000x144xf32, #tpu.memory_space<vmem_shared>>
      tpu.wait_indirect_dma semaphore(%run_scoped3A : memref<!tpu.dma_semaphore, #tpu.memory_space<semaphore_mem>>) src(%arg13 : memref<80x144xf32, #tpu.memory_space<vmem>>) dst(%dma_wait3A_184 : memref<10000x144xf32, #tpu.memory_space<vmem_shared>>)
      tpu.yield
    }) : () -> ()
    %barrier3A_159 = arith.constant 0 : index
    tpu.barrier barrier_id(%barrier3A_159)
    %mul3A_160 = arith.constant 624 : i32
    %mul3A_161 = arith.muli %arg1, %mul3A_160 : i32
    %mul3A_162 = arith.constant 10000 : i32
    %mul3A_163 = arith.muli %arg0, %mul3A_162 : i32
    %mul3A_164 = arith.constant 624 : i32
    %mul3A_165 = arith.muli %arg1, %mul3A_164 : i32
    %add3A_166 = arith.addi %mul3A_163, %mul3A_165 : i32
    "tpu.region"() ({
      %run_scoped3A = tpu.sem_alloc : memref<!tpu.dma_semaphore, #tpu.memory_space<semaphore_mem>>
      %dma_start3A_179 = arith.constant 0 : i32
      %dma_start3A_180 = tpu.memref_slice %arg4[%add3A_166, %dma_start3A_179] : memref<20000x128xf32, #tpu.memory_space<hbm>> -> memref<624x128xf32, #tpu.memory_space<hbm>>
      %dma_start3A_181 = arith.constant 0 : i32
      %dma_start3A_182 = tpu.memref_slice %arg6[%mul3A_161, %dma_start3A_181] : memref<10000x144xf32, #tpu.memory_space<vmem_shared>> -> memref<624x128xf32, #tpu.memory_space<vmem_shared>>
      tpu.enqueue_dma source(%dma_start3A_182 : memref<624x128xf32, #tpu.memory_space<vmem_shared>>) target(%dma_start3A_180 : memref<624x128xf32, #tpu.memory_space<hbm>>) target_semaphore(%run_scoped3A : memref<!tpu.dma_semaphore, #tpu.memory_space<semaphore_mem>>)
      %dma_wait3A_183 = arith.constant 0 : i32
      %dma_wait3A_184 = tpu.memref_slice %arg4[%add3A_166, %dma_wait3A_183] : memref<20000x128xf32, #tpu.memory_space<hbm>> -> memref<624x128xf32, #tpu.memory_space<hbm>>
      %dma_wait3A_185 = arith.constant 0 : i32
      %dma_wait3A_186 = tpu.memref_slice %arg6[%mul3A_161, %dma_wait3A_185] : memref<10000x144xf32, #tpu.memory_space<vmem_shared>> -> memref<624x128xf32, #tpu.memory_space<vmem_shared>>
      tpu.wait_dma2 semaphore(%run_scoped3A : memref<!tpu.dma_semaphore, #tpu.memory_space<semaphore_mem>>) src(%dma_wait3A_186 : memref<624x128xf32, #tpu.memory_space<vmem_shared>>) dst(%dma_wait3A_184 : memref<624x128xf32, #tpu.memory_space<hbm>>)
      tpu.yield
    }) : () -> ()
    %mul3A_167 = arith.constant 624 : i32
    %mul3A_168 = arith.muli %arg1, %mul3A_167 : i32
    %mul3A_169 = arith.constant 10000 : i32
    %mul3A_170 = arith.muli %arg0, %mul3A_169 : i32
    %mul3A_171 = arith.constant 624 : i32
    %mul3A_172 = arith.muli %arg1, %mul3A_171 : i32
    %add3A_173 = arith.addi %mul3A_170, %mul3A_172 : i32
    "tpu.region"() ({
      %run_scoped3A = tpu.sem_alloc : memref<!tpu.dma_semaphore, #tpu.memory_space<semaphore_mem>>
      %dma_start3A_179 = arith.constant 0 : i32
      %dma_start3A_180 = tpu.memref_slice %arg5[%add3A_173, %dma_start3A_179] : memref<20000x16xf32, #tpu.memory_space<hbm>> -> memref<624x16xf32, #tpu.memory_space<hbm>>
      %dma_start3A_181 = arith.constant 128 : i32
      %dma_start3A_182 = tpu.memref_slice %arg6[%mul3A_168, %dma_start3A_181] : memref<10000x144xf32, #tpu.memory_space<vmem_shared>> -> memref<624x16xf32, #tpu.memory_space<vmem_shared>>
      tpu.enqueue_dma source(%dma_start3A_182 : memref<624x16xf32, #tpu.memory_space<vmem_shared>>) target(%dma_start3A_180 : memref<624x16xf32, #tpu.memory_space<hbm>>) target_semaphore(%run_scoped3A : memref<!tpu.dma_semaphore, #tpu.memory_space<semaphore_mem>>)
      %dma_wait3A_183 = arith.constant 0 : i32
      %dma_wait3A_184 = tpu.memref_slice %arg5[%add3A_173, %dma_wait3A_183] : memref<20000x16xf32, #tpu.memory_space<hbm>> -> memref<624x16xf32, #tpu.memory_space<hbm>>
      %dma_wait3A_185 = arith.constant 128 : i32
      %dma_wait3A_186 = tpu.memref_slice %arg6[%mul3A_168, %dma_wait3A_185] : memref<10000x144xf32, #tpu.memory_space<vmem_shared>> -> memref<624x16xf32, #tpu.memory_space<vmem_shared>>
      tpu.wait_dma2 semaphore(%run_scoped3A : memref<!tpu.dma_semaphore, #tpu.memory_space<semaphore_mem>>) src(%dma_wait3A_186 : memref<624x16xf32, #tpu.memory_space<vmem_shared>>) dst(%dma_wait3A_184 : memref<624x16xf32, #tpu.memory_space<hbm>>)
      tpu.yield
    }) : () -> ()
    %eq3A_174 = arith.constant 0 : i32
    %eq3A_175 = arith.cmpi eq, %arg1, %eq3A_174 : i32
    %convert_element_type3A_176 = arith.extui %eq3A_175 : i1 to i32
    %cond3A_177 = arith.constant 0 : i32
    %cond3A_178 = arith.cmpi ne, %convert_element_type3A_176, %cond3A_177 : i32
    scf.if %cond3A_178 {
      %mul3A_179 = arith.constant 10000 : i32
      %mul3A_180 = arith.muli %arg0, %mul3A_179 : i32
      %add3A_181 = arith.constant 9984 : i32
      %add3A_182 = arith.addi %mul3A_180, %add3A_181 : i32
      "tpu.region"() ({
        %run_scoped3A = tpu.sem_alloc : memref<!tpu.dma_semaphore, #tpu.memory_space<semaphore_mem>>
        %dma_start3A_187 = arith.constant 0 : i32
        %dma_start3A_188 = tpu.memref_slice %arg4[%add3A_182, %dma_start3A_187] : memref<20000x128xf32, #tpu.memory_space<hbm>> -> memref<16x128xf32, #tpu.memory_space<hbm>>
        %dma_start3A_189 = arith.constant 9984 : i32
        %dma_start3A_190 = arith.constant 0 : i32
        %dma_start3A_191 = tpu.memref_slice %arg6[%dma_start3A_189, %dma_start3A_190] : memref<10000x144xf32, #tpu.memory_space<vmem_shared>> -> memref<16x128xf32, #tpu.memory_space<vmem_shared>>
        tpu.enqueue_dma source(%dma_start3A_191 : memref<16x128xf32, #tpu.memory_space<vmem_shared>>) target(%dma_start3A_188 : memref<16x128xf32, #tpu.memory_space<hbm>>) target_semaphore(%run_scoped3A : memref<!tpu.dma_semaphore, #tpu.memory_space<semaphore_mem>>)
        %dma_wait3A_192 = arith.constant 0 : i32
        %dma_wait3A_193 = tpu.memref_slice %arg4[%add3A_182, %dma_wait3A_192] : memref<20000x128xf32, #tpu.memory_space<hbm>> -> memref<16x128xf32, #tpu.memory_space<hbm>>
        %dma_wait3A_194 = arith.constant 9984 : i32
        %dma_wait3A_195 = arith.constant 0 : i32
        %dma_wait3A_196 = tpu.memref_slice %arg6[%dma_wait3A_194, %dma_wait3A_195] : memref<10000x144xf32, #tpu.memory_space<vmem_shared>> -> memref<16x128xf32, #tpu.memory_space<vmem_shared>>
        tpu.wait_dma2 semaphore(%run_scoped3A : memref<!tpu.dma_semaphore, #tpu.memory_space<semaphore_mem>>) src(%dma_wait3A_196 : memref<16x128xf32, #tpu.memory_space<vmem_shared>>) dst(%dma_wait3A_193 : memref<16x128xf32, #tpu.memory_space<hbm>>)
        tpu.yield
      }) : () -> ()
      %mul3A_183 = arith.constant 10000 : i32
      %mul3A_184 = arith.muli %arg0, %mul3A_183 : i32
      %add3A_185 = arith.constant 9984 : i32
      %add3A_186 = arith.addi %mul3A_184, %add3A_185 : i32
      "tpu.region"() ({
        %run_scoped3A = tpu.sem_alloc : memref<!tpu.dma_semaphore, #tpu.memory_space<semaphore_mem>>
        %dma_start3A_187 = arith.constant 0 : i32
        %dma_start3A_188 = tpu.memref_slice %arg5[%add3A_186, %dma_start3A_187] : memref<20000x16xf32, #tpu.memory_space<hbm>> -> memref<16x16xf32, #tpu.memory_space<hbm>>
        %dma_start3A_189 = arith.constant 9984 : i32
        %dma_start3A_190 = arith.constant 128 : i32
        %dma_start3A_191 = tpu.memref_slice %arg6[%dma_start3A_189, %dma_start3A_190] : memref<10000x144xf32, #tpu.memory_space<vmem_shared>> -> memref<16x16xf32, #tpu.memory_space<vmem_shared>>
        tpu.enqueue_dma source(%dma_start3A_191 : memref<16x16xf32, #tpu.memory_space<vmem_shared>>) target(%dma_start3A_188 : memref<16x16xf32, #tpu.memory_space<hbm>>) target_semaphore(%run_scoped3A : memref<!tpu.dma_semaphore, #tpu.memory_space<semaphore_mem>>)
        %dma_wait3A_192 = arith.constant 0 : i32
        %dma_wait3A_193 = tpu.memref_slice %arg5[%add3A_186, %dma_wait3A_192] : memref<20000x16xf32, #tpu.memory_space<hbm>> -> memref<16x16xf32, #tpu.memory_space<hbm>>
        %dma_wait3A_194 = arith.constant 9984 : i32
        %dma_wait3A_195 = arith.constant 128 : i32
        %dma_wait3A_196 = tpu.memref_slice %arg6[%dma_wait3A_194, %dma_wait3A_195] : memref<10000x144xf32, #tpu.memory_space<vmem_shared>> -> memref<16x16xf32, #tpu.memory_space<vmem_shared>>
        tpu.wait_dma2 semaphore(%run_scoped3A : memref<!tpu.dma_semaphore, #tpu.memory_space<semaphore_mem>>) src(%dma_wait3A_196 : memref<16x16xf32, #tpu.memory_space<vmem_shared>>) dst(%dma_wait3A_193 : memref<16x16xf32, #tpu.memory_space<hbm>>)
        tpu.yield
      }) : () -> ()
    } else {
    }
    return
  }
}

module attributes {stable_mosaic.version = 14 : i64} {
  func.func @body(%arg0: memref<10000x128xf32, #tpu.memory_space<vmem>>, %arg1: memref<20000x128xf32, #tpu.memory_space<vmem>>, %arg2: memref<2500x128xf32, #tpu.memory_space<vmem>>, %arg3: memref<128x128xf32, #tpu.memory_space<vmem>>, %arg4: memref<128x128xf32, #tpu.memory_space<vmem>>, %arg5: memref<1x128xf32, #tpu.memory_space<vmem>>, %arg6: memref<1x128xf32, #tpu.memory_space<vmem>>, %arg7: memref<10000x128xf32, #tpu.memory_space<vmem>>) attributes {dimension_semantics = [], scalar_prefetch = 0 : i64, scratch_operands = 0 : i64, tpu.core_type = #tpu.core_type<tc>} {
    %get3A = arith.constant 0 : index
    %get3A_0 = arith.constant 0 : index
    %get3A_1 = vector.load %arg2[%get3A, %get3A_0] : memref<2500x128xf32, #tpu.memory_space<vmem>>, vector<1250x128xf32>
    %get3A_2 = arith.constant 1250 : index
    %get3A_3 = arith.constant 0 : index
    %get3A_4 = vector.load %arg2[%get3A_2, %get3A_3] : memref<2500x128xf32, #tpu.memory_space<vmem>>, vector<1250x128xf32>
    %add3A = arith.addf %get3A_1, %get3A_4 : vector<1250x128xf32>
    %broadcast_in_dim3A = vector.shape_cast %add3A : vector<1250x128xf32> to vector<1250x1x128xf32>
    %broadcast_in_dim3A_5 = vector.broadcast %broadcast_in_dim3A : vector<1250x1x128xf32> to vector<1250x8x128xf32>
    %reshape3A = vector.shape_cast %broadcast_in_dim3A_5 : vector<1250x8x128xf32> to vector<10000x128xf32>
    %iota3A = tpu.iota {dimensions = array<i32: 1>} : vector<10000x128xi32>
    %iota3A_6 = tpu.iota {dimensions = array<i32: 0>} : vector<10000x128xi32>
    %jit3A = arith.constant 8 : i32
    %eq3A = arith.constant 0 : i32
    %eq3A_7 = arith.cmpi eq, %jit3A, %eq3A : i32
    %jit3A_8 = arith.constant 1 : i32
    %select_n3A = arith.select %eq3A_7, %jit3A_8, %jit3A : i32
    %rem3A = vector.broadcast %select_n3A : i32 to vector<10000x128xi32>
    %rem3A_9 = arith.remsi %iota3A_6, %rem3A : vector<10000x128xi32>
    %ne3A = arith.constant 0 : i32
    %ne3A_10 = vector.broadcast %ne3A : i32 to vector<10000x128xi32>
    %ne3A_11 = arith.cmpi ne, %rem3A_9, %ne3A_10 : vector<10000x128xi32>
    %lt3A = arith.constant 0 : i32
    %lt3A_12 = vector.broadcast %lt3A : i32 to vector<10000x128xi32>
    %lt3A_13 = arith.cmpi slt, %rem3A_9, %lt3A_12 : vector<10000x128xi32>
    %lt3A_14 = arith.constant 0 : i32
    %lt3A_15 = arith.cmpi slt, %select_n3A, %lt3A_14 : i32
    %ne3A_16 = vector.broadcast %lt3A_15 : i1 to vector<10000x128xi1>
    %ne3A_17 = vector.broadcast %ne3A_16 : vector<10000x128xi1> to vector<10000x128xi1>
    %ne3A_18 = arith.xori %lt3A_13, %ne3A_17 : vector<10000x128xi1>
    %and3A = arith.andi %ne3A_18, %ne3A_11 : vector<10000x128xi1>
    %add3A_19 = vector.broadcast %select_n3A : i32 to vector<10000x128xi32>
    %add3A_20 = arith.addi %rem3A_9, %add3A_19 : vector<10000x128xi32>
    %select_n3A_21 = arith.select %and3A, %add3A_20, %rem3A_9 : vector<10000x128xi1>, vector<10000x128xi32>
    %mul3A = arith.constant 16 : i32
    %mul3A_22 = vector.broadcast %mul3A : i32 to vector<10000x128xi32>
    %mul3A_23 = arith.muli %mul3A_22, %select_n3A_21 : vector<10000x128xi32>
    %eq3A_24 = arith.cmpi eq, %iota3A, %mul3A_23 : vector<10000x128xi32>
    %jit3A_25 = arith.constant 0.000000e+00 : f32
    %broadcast_in_dim3A_26 = vector.broadcast %jit3A_25 : f32 to vector<10000x128xf32>
    %select_n3A_27 = arith.select %eq3A_24, %reshape3A, %broadcast_in_dim3A_26 : vector<10000x128xi1>, vector<10000x128xf32>
    %reduce_sum3A = arith.constant dense<0.000000e+00> : vector<10000xf32>
    %reduce_sum3A_28 = vector.multi_reduction <add>, %select_n3A_27, %reduce_sum3A [1] : vector<10000x128xf32> to vector<10000xf32>
    %broadcast_in_dim3A_29 = vector.shape_cast %reduce_sum3A_28 : vector<10000xf32> to vector<10000x1xf32>
    %get3A_30 = arith.constant 0 : index
    %get3A_31 = arith.constant 0 : index
    %get3A_32 = vector.load %arg1[%get3A_30, %get3A_31] : memref<20000x128xf32, #tpu.memory_space<vmem>>, vector<10000x128xf32>
    %get3A_33 = arith.constant 10000 : index
    %get3A_34 = arith.constant 0 : index
    %get3A_35 = vector.load %arg1[%get3A_33, %get3A_34] : memref<20000x128xf32, #tpu.memory_space<vmem>>, vector<10000x128xf32>
    %add3A_36 = arith.addf %get3A_32, %get3A_35 : vector<10000x128xf32>
    %max3A = arith.constant 1.000000e+00 : f32
    %max3A_37 = vector.broadcast %max3A : f32 to vector<10000x1xf32>
    %max3A_38 = arith.maximumf %broadcast_in_dim3A_29, %max3A_37 : vector<10000x1xf32>
    %div3A = vector.broadcast %max3A_38 : vector<10000x1xf32> to vector<10000x128xf32>
    %div3A_39 = arith.divf %add3A_36, %div3A : vector<10000x128xf32>
    %get3A_40 = arith.constant 0 : index
    %get3A_41 = arith.constant 0 : index
    %get3A_42 = vector.load %arg0[%get3A_40, %get3A_41] : memref<10000x128xf32, #tpu.memory_space<vmem>>, vector<10000x128xf32>
    %get3A_43 = arith.constant 0 : index
    %get3A_44 = arith.constant 0 : index
    %get3A_45 = vector.load %arg3[%get3A_43, %get3A_44] : memref<128x128xf32, #tpu.memory_space<vmem>>, vector<128x128xf32>
    %dot_general3A = arith.constant dense<0.000000e+00> : vector<10000x128xf32>
    %dot_general3A_46 = tpu.matmul %get3A_42, %get3A_45, %dot_general3A {dimension_numbers = #tpu.dot_dimension_numbers<[1], [0], [0], [1], [0, 0, 1, 1], [], []>, transpose_lhs_hint = false} : vector<10000x128xf32>, vector<128x128xf32>, vector<10000x128xf32> -> vector<10000x128xf32>
    %get3A_47 = arith.constant 0 : index
    %get3A_48 = arith.constant 0 : index
    %get3A_49 = vector.load %arg4[%get3A_47, %get3A_48] : memref<128x128xf32, #tpu.memory_space<vmem>>, vector<128x128xf32>
    %dot_general3A_50 = arith.constant dense<0.000000e+00> : vector<10000x128xf32>
    %dot_general3A_51 = tpu.matmul %div3A_39, %get3A_49, %dot_general3A_50 {dimension_numbers = #tpu.dot_dimension_numbers<[1], [0], [0], [1], [0, 0, 1, 1], [], []>, transpose_lhs_hint = false} : vector<10000x128xf32>, vector<128x128xf32>, vector<10000x128xf32> -> vector<10000x128xf32>
    %add3A_52 = arith.addf %dot_general3A_46, %dot_general3A_51 : vector<10000x128xf32>
    %get3A_53 = arith.constant 0 : index
    %get3A_54 = arith.constant 0 : index
    %get3A_55 = vector.load %arg5[%get3A_53, %get3A_54] : memref<1x128xf32, #tpu.memory_space<vmem>>, vector<1x128xf32>
    %add3A_56 = vector.broadcast %get3A_55 : vector<1x128xf32> to vector<10000x128xf32>
    %add3A_57 = arith.addf %add3A_52, %add3A_56 : vector<10000x128xf32>
    %get3A_58 = arith.constant 0 : index
    %get3A_59 = arith.constant 0 : index
    %get3A_60 = vector.load %arg6[%get3A_58, %get3A_59] : memref<1x128xf32, #tpu.memory_space<vmem>>, vector<1x128xf32>
    %add3A_61 = vector.broadcast %get3A_60 : vector<1x128xf32> to vector<10000x128xf32>
    %add3A_62 = arith.addf %add3A_57, %add3A_61 : vector<10000x128xf32>
    %swap3A = arith.constant 0 : index
    %swap3A_63 = arith.constant 0 : index
    %swap3A_64 = vector.load %arg7[%swap3A, %swap3A_63] : memref<10000x128xf32, #tpu.memory_space<vmem>>, vector<10000x128xf32>
    tpu.vector_store %arg7[%swap3A, %swap3A_63], %add3A_62 {strides = array<i32>} : memref<10000x128xf32, #tpu.memory_space<vmem>>, vector<10000x128xf32>,
    return
  }
}

</mosaic_0001>

<sc_bundles>
// kernel: kernel.4.cloned.1.call-start
scs
__scs_entry_jumppad:
0x0: {  	(pc) =	sbr.rel $0x88, $3  }
0x1: {  	(tag) =	ssettag $0x0;
	lr =	simm.s32 $0x1  }
0x2: {  	[smem:$0x3F9B] =	sst lr;
	_ =	strace $0xD0000000  }
0x3: {  	_ = 	snop  }
0x4: {  	_ = 	snop  }
0x5: {  	_ = 	snop  }
0x6: {  	_ = 	snop  }
0x7: {  	_ = 	snop  }
__scs_overlays_trampoline_lowered:
0x8: {  	[smem:$0x3FAA] =	sst s0  }
0x9: {  	[smem:$0x3FAB] =	sst s1  }
0xa: {  	[smem:$0x3FAC] =	sst s2  }
0xb: {  	[smem:$0x3FAD] =	sst s3  }
0xc: {  	[smem:$0x3FAE] =	sst s4  }
0xd: {  	[smem:$0x3FAF] =	sst s5  }
0xe: {  	[smem:$0x3FB0] =	sst s6  }
0xf: {  	[smem:$0x3FB1] =	sst s7  }
0x10: {  	[smem:$0x3FB2] =	sst s8  }
0x11: {  	[smem:$0x3FB3] =	sst s9;
	s0 =	simm.s32 @!p0 $0x0  }
0x12: {  	s1 =	sld [smem:$0x3F99];
	s0 =	simm.s32 @p0 $0x1  }
0x13: {  	[smem:$0x3FB4] =	sst s0;
	s0 =	simm.s32 @!p1 $0x0  }
0x14: {  	s2 =	sld [smem:$0x3F98];
	s0 =	simm.s32 @p1 $0x1  }
0x15: {  	[smem:$0x3FB5] =	sst s0;
	s0 =	simm.s32 @!p2 $0x0  }
0x16: {  	s3 =	sld [smem:$0x3FDB];
	s0 =	simm.s32 @p2 $0x1  }
0x17: {  	s4 =	simm.s32 $0x1BF5;
	[smem:$0x3FB7] =	sst s0  }
0x18: {  	s0 =	sld [smem:$0x3F9A];
	_ =	swait.ge [sflag:s4], $0x0  }
0x19: {  	s7 =	sld [smem:$0x3F9B]  }
0x1a: {  	s8 =	sadd.s32 $0xFFFFE003, lr  }
0x1b: {  	s9 =	sadd.s32 $0xFFFFFEF7, lr;
	s5 =	simm.s32 $0xFFFFFFFF;
	p2 =	slt.u32 s8, $0xFFFFF086  }
0x1c: {  	p1 =	slt.u32 s9, $0xF7A;
	s5 =	simm.s32 @!p2 $0x0  }
0x1d: {  	s5 =	simm.s32 @p1 $0x1;
	p0 =	seq.s32 s7, s2  }
0x1e: {  	s7 =	smul.u32 @!p0 $0xF7A, s2;
	p2 =	seq.s32 @!p0 s5, $0x0  }
0x1f: {  	s9 =	smul.u32 $0xF7A, s1;
	s8 =	simm.s32 @!p0 $0x1BF5;
	p2 =	por !p2, p0  }
0x20: {  	[sflag:s8] =	ssyncset.s32 @!p0 $0xFFFFF086;
	s6 =	sadd.s32 @!p0 s3, s7;
	s7 =	simm.s32 @!p0 $0x108  }
0x21: {  	s3 =	sadd.s32 s3, s9;
	s6 =	sadd.s32 @!p0 $0x88, s6;
	s7 =	simm.s32 @p2 $0x1082  }
0x22: {  	[simem:s7], [sflag:s8] =	dma.local @!p0 [hbm:s6], $0xF7A  }
0x23: {  	s9 =	sor.u32 $0xD0000000, s2;
	s6 =	simm.s32 $0x108;
	_ =	swait.ge @!p0 [sflag:s8], $0x0  }
0x24: {  	s3 =	sadd.s32 $0x88, s3;
	s6 =	simm.s32 @!p1 $0x1082;
	[sflag:s4] =	ssyncset.s32 $0xFFFFF086  }
0x25: {  	[simem:s6], [sflag:s4] =	dma.local [hbm:s3], $0xF7A  }
0x26: {  	[smem:$0x3F9B] =	sst s1;
	(tag) =	ssettag s2;
	_ =	strace s9  }
0x27: {  	s1 =	sld [smem:$0x3FAB]  }
0x28: {  	s2 =	sld [smem:$0x3FAC]  }
0x29: {  	s4 =	sld [smem:$0x3FAE]  }
0x2a: {  	p0 =	seq.s32 s5, $0x0;
	s5 =	sld [smem:$0x3FAF]  }
0x2b: {  	s6 =	sld [smem:$0x3FB0]  }
0x2c: {  	s7 =	sld [smem:$0x3FB1]  }
0x2d: {  	s3 =	simm.s32 $0x108;
	s8 =	sld [smem:$0x3FB2]  }
0x2e: {  	s3 =	simm.s32 @!p0 $0x1082;
	s9 =	sld [smem:$0x3FB3]  }
0x2f: {  	lr =	sadd.s32 s0, s3;
	s0 =	sld [smem:$0x3FAA]  }
0x30: {  	s3 =	sld [smem:$0x3FAD]  }
0x31: {  	[smem:$0x3FB6] =	sst s10  }
0x32: {  	s10 =	sld [smem:$0x3FB4];
	_ =	sdelay $0x3  }
0x33: {  	p0 =	seq.s32 s10, $0x1;
	s10 =	sld [smem:$0x3FB6];
	_ =	sdelay $0x3  }
0x34: {  	[smem:$0x3FB6] =	sst s10  }
0x35: {  	s10 =	sld [smem:$0x3FB5];
	_ =	sdelay $0x3  }
0x36: {  	p1 =	seq.s32 s10, $0x1;
	s10 =	sld [smem:$0x3FB6];
	_ =	sdelay $0x3  }
0x37: {  	[smem:$0x3FB6] =	sst s10  }
0x38: {  	s10 =	sld [smem:$0x3FB7]  }
0x39: {  	_ = 	snop;
	(pc) =	sbr.ind lr, $3  }
0x3a: {  	_ = 	snop  }
0x3b: {  	_ = 	snop  }
0x3c: {  	p2 =	seq.s32 s10, $0x1;
	s10 =	sld [smem:$0x3FB6]  }
0x3d: {  	_ =	shalt  }
0x3e: {  	_ =	shalt  }
0x3f: {  	_ =	shalt  }
0x40: {  	_ =	shalt  }
0x41: {  	_ =	shalt  }
0x42: {  	_ =	shalt  }
0x43: {  	_ =	shalt  }
0x44: {  	_ =	shalt  }
0x45: {  	_ =	shalt  }
0x46: {  	_ =	shalt  }
0x47: {  	_ =	shalt  }
0x48: {  	_ =	shalt  }
0x49: {  	_ =	shalt  }
0x4a: {  	_ =	shalt  }
0x4b: {  	_ =	shalt  }
0x4c: {  	_ =	shalt  }
0x4d: {  	_ =	shalt  }
0x4e: {  	_ =	shalt  }
0x4f: {  	_ =	shalt  }
0x50: {  	_ =	shalt  }
0x51: {  	_ =	shalt  }
0x52: {  	_ =	shalt  }
0x53: {  	_ =	shalt  }
0x54: {  	_ =	shalt  }
0x55: {  	_ =	shalt  }
0x56: {  	_ =	shalt  }
0x57: {  	_ =	shalt  }
0x58: {  	_ =	shalt  }
0x59: {  	_ =	shalt  }
0x5a: {  	_ =	shalt  }
0x5b: {  	_ =	shalt  }
0x5c: {  	_ =	shalt  }
0x5d: {  	_ =	shalt  }
0x5e: {  	_ =	shalt  }
0x5f: {  	_ =	shalt  }
0x60: {  	_ =	shalt  }
0x61: {  	_ =	shalt  }
0x62: {  	_ =	shalt  }
0x63: {  	_ =	shalt  }
0x64: {  	_ =	shalt  }
0x65: {  	_ =	shalt  }
0x66: {  	_ =	shalt  }
0x67: {  	_ =	shalt  }
0x68: {  	_ =	shalt  }
0x69: {  	_ =	shalt  }
0x6a: {  	_ =	shalt  }
0x6b: {  	_ =	shalt  }
0x6c: {  	_ =	shalt  }
0x6d: {  	_ =	shalt  }
0x6e: {  	_ =	shalt  }
0x6f: {  	_ =	shalt  }
0x70: {  	_ =	shalt  }
0x71: {  	_ =	shalt  }
0x72: {  	_ =	shalt  }
0x73: {  	_ =	shalt  }
0x74: {  	_ =	shalt  }
0x75: {  	_ =	shalt  }
0x76: {  	_ =	shalt  }
0x77: {  	_ =	shalt  }
0x78: {  	_ =	shalt  }
0x79: {  	_ =	shalt  }
0x7a: {  	_ =	shalt  }
0x7b: {  	_ =	shalt  }
0x7c: {  	_ =	shalt  }
0x7d: {  	_ =	shalt  }
0x7e: {  	_ =	shalt  }
0x7f: {  	_ =	shalt  }
0x80: {  	_ =	shalt  }
0x81: {  	_ =	shalt  }
0x82: {  	_ =	shalt  }
0x83: {  	_ =	shalt  }
0x84: {  	_ =	shalt  }
0x85: {  	_ =	shalt  }
0x86: {  	_ =	shalt  }
0x87: {  	_ =	shalt  }
.Lfunc_end0:
.L_simem_size_0:
called_computation_lowered:
.L_overlay_start_0:
0x88: {  	s2 =	sld [smem:$0x3FD9]  }
0x89: {  	s3 =	sld [smem:$0x3FFE];
	_ =	sdelay $0x1  }
0x8a: {  	s1 =	srdreg.scid  }
0x8b: {  	s0 =	sand.u32 $0x1, s1  }
0x8c: {  	s17 =	sshll.u32 s0, $0xA;
	s2 =	sadd.s32 s3, s2  }
0x8d: {  	s2 =	sadd.s32 s2, s17  }
0x8e: {  	[smem:$0x3FC2] =	sst s2  }
0x8f: {  	_ = 	snop  }
0x90: {  	s2 =	sld [smem:$0x3FD0];
	(tm) =	ssettm $0x1  }
0x91: {  	s18 =	sld [smem:$0x3FFB];
	_ =	sdelay $0x3  }
0x92: {  	_ =	strace s18  }
0x93: {  	s3 =	sld [smem:$0x3FFC];
	_ =	sdelay $0x3  }
0x94: {  	_ =	strace s3  }
0x95: {  	s3 =	sld [smem:$0x3FFD];
	_ =	sdelay $0x3  }
0x96: {  	_ =	strace s3  }
0x97: {  	_ =	strace $0x8FFFFFFF  }
0x98: {  	s19 =	sld [smem:$0x3FDB];
	_ =	sdelay $0x1  }
0x99: {  	s4 =	simm.s32 $_scs_section_size  }
0x9a: {  	s5 =	simm.s32 $_size__tile_overlayer_lowered;
	s6 =	simm.s32 $_tile_overlayer_lowered  }
0x9b: {  	s22 =	simm.s32 $0x1BFF;
	s21 =	sshll.u32 s6, $0x1;
	s3 =	sadd.s32 s4, s19  }
0x9c: {  	s7 =	simm.s32 $0x0;
	s20 =	sshll.u32 s5, $0x1;
	s5 =	sadd.s32 s21, s3  }
0x9d: {  	[timem:s7], [sflag:s22] =	dma.local [hbm:s5], s20  }
0x9e: {  	_ =	swait.ge [sflag:s22], s20  }
0x9f: {  	s4 =	ssub.s32 $0x0, s20;
	[sflag:s22] =	ssyncset.done $0x0  }
0xa0: {  	[sflag:s22] =	ssyncadd.s32 s4;
	_ =	sdelay $0x1  }
0xa1: {  	s23 =	simm.s32 $0x1B8B  }
0xa2: {  	_ =	swait.ge [sflag:s23], $0x1  }
0xa3: {  	[sflag:s23] =	ssyncset.done $0x0  }
0xa4: {  	s25 =	simm.s32 $0x1B8E;
	s24 =	sld [smem:$0x3FFE];
	[sflag:s23] =	ssyncadd.s32 $0xFFFFFFFF  }
0xa5: {  	s26 =	simm.s32 $execute0_lowered;
	[smem:$0x3FD2] =	sst s25  }
0xa6: {  	s5 =	sshll.u32 s26, $0x1;
	_ =	strace $0x80000046;
	[dreg:$0x1] =	wrdreg $0xFFFFFFFF  }
0xa7: {  	s28 =	simm.s32 $_size_execute0_lowered;
	s3 =	sadd.s32 s3, s5;
	[dreg:$0x0] =	wrdreg $0x0  }
0xa8: {  	s5 =	sshll.u32 s28, $0x1;
	[dreg:$0x2] =	wrdreg s3  }
0xa9: {  	[dreg:$0x3] =	wrdreg s5  }
0xaa: {  	[dreg:$0x4] =	wrdreg $0xC0  }
0xab: {  	_ =	task [dreg:s7], $0x5FFFF  }
0xac: {  	[dreg:$0x1] =	wrdreg $0xFFFFFFFF  }
0xad: {  	[dreg:$0x0] =	wrdreg $0x60  }
0xae: {  	[dreg:$0x2] =	wrdreg s24  }
0xaf: {  	[dreg:$0x3] =	wrdreg s2  }
0xb0: {  	[dreg:$0x4] =	wrdreg $0x0  }
0xb1: {  	[dreg:$0x5] =	wrdreg $0x9  }
0xb2: {  	_ =	task.clear_ibuf [dreg:s7], $0x6FFFF;
	_ =	strace $0x90000046  }
0xb3: {  	s29 =	simm.s32 $0x9;
	_ =	strace $0x80000048  }
0xb4: {  	_ =	swait.ge [sflag:s29], $0x1  }
0xb5: {  	[sflag:s29] =	ssyncadd.s32 $0xFFFFFFFF  }
0xb6: {  	_ =	strace $0x90000048  }
0xb7: {  	_ =	sfence  }
0xb8: {  	s30 =	sld [smem:$0x0];
	_ =	sdelay $0x2  }
0xb9: {  	s31 =	sshll.u32 s1, $0xD;
	s1 =	sshrl.u32 s1, $0x2  }
0xba: {  	s3 =	sand.u32 $0x4000, s31;
	s1 =	sadd.s32 s1, s30  }
0xbb: {  	s0 =	sor.u32 s3, s0;
	s1 =	sshll.u32 s1, $0x11  }
0xbc: {  	s0 =	sor.u32 s1, s0  }
0xbd: {  	s0 =	sadd.s32 $0x8F2B, s0  }
0xbe: {  	[sflag:s0] =	ssyncadd.remote.s32 $0x1  }
0xbf: {  	_ =	sfence.sel $0xFFFF  }
0xc0: {  	[dreg:$0x0] =	wrdreg $0xFFFFFFFF;
	(pc) =	sbr.abs _section_cstart, $3  }
0xc1: {  	[dreg:$0x1] =	wrdreg $0xFFFFFFFF  }
0xc2: {  	_ =	task.clear_ibuf [dreg:s7], $0x2FFFF;
	_ =	strace $0x9FFFFFFF  }
0xc3: {  	(tm) =	ssettm $0x7FFFFFFF  }
tec
execute0_lowered:
.L_overlay_start_1:
0x0: {  	(tag) =	ssettag $0x1  }
0x1: {  	s0 =	rddreg [dreg:$0x0]  }
0x2: {  	s2 =	rddreg [dreg:$0x1]  }
0x3: {  	s1 =	rddreg [dreg:$0x2];
	s3 =	simm.s32 $0x0;
	s11 =	srdreg.scid  }
0x4: {  	s10 =	stileid.u32;
	s29 =	simm.s32 $0x1;
	s30 =	simm.s32 $0x15F90  }
0x5: {  	s31 =	simm.s32 $0x3;
	s4 =	sand.u32 $0x1, s11;
	s7 =	smul.u32 $0x57C00, s10  }
0x6: {  	s28 =	simm.s32 $0x1A2E0;
	[smem:$0x7FF] =	sst s3;
	s6 =	ssub.s32 $0x2, s4  }
0x7: {  	s3 =	sadd.s32 $0x1800, s0;
	s9 =	sshrl.u32 s6, $0x1;
	s12 =	sshrl.u32 s7, $0x2  }
0x8: {  	s8 =	sadd.s32 $0x2D800, s0;
	s9 =	ssub.s32 s6, s9;
	s6 =	sadd.s32 s12, s1  }
0x9: {  	s0 =	sadd.s32 $0x7BA00, s0;
	s13 =	smul.u32 $0x270, s10;
	s14 =	sadd.s32 $0x1B00, s6  }
0xa: {  	_ =	strace $0x80000047;
	s15 =	sadd.s32 $0x3600, s6;
	[dreg:$0x5] =	wrdreg s14  }
0xb: {  	p0 =	sne.s32 s10, $0x0;
	s16 =	sadd.s32 $0x5100, s6;
	[dreg:$0x6] =	wrdreg s15  }
0xc: {  	s11 =	simm.s32 $0x0;
	s17 =	sadd.s32 $0x6C00, s6;
	[dreg:$0x7] =	wrdreg s16  }
0xd: {  	s5 =	sshll.u32 s4, $0x4;
	s18 =	sadd.s32 $0x8700, s6;
	[dreg:$0x8] =	wrdreg s17  }
0xe: {  	s4 =	smul.u32 $0x2710, s4;
	s19 =	sadd.s32 $0xA200, s6;
	[dreg:$0x9] =	wrdreg s18  }
0xf: {  	s5 =	sor.u32 s10, s5;
	s20 =	sadd.s32 $0xBD00, s6;
	[dreg:$0xa] =	wrdreg s19  }
0x10: {  	s7 =	simm.s32 $0x1A240;
	s21 =	sadd.s32 $0xD800, s6;
	[dreg:$0xb] =	wrdreg s20  }
0x11: {  	s5 =	smul.u32 $0x4E2, s5;
	s22 =	sadd.s32 $0xF300, s6;
	[dreg:$0xc] =	wrdreg s21  }
0x12: {  	s10 =	simm.s32 $0x12;
	s23 =	sadd.s32 $0x10E00, s6;
	[dreg:$0xd] =	wrdreg s22  }
0x13: {  	s26 =	sadd.s32 $0x80, s6;
	s2 =	sadd.s32 s2, s5;
	[dreg:$0xe] =	wrdreg s23  }
0x14: {  	s17 =	sadd.s32 $0x12900, s6;
	s18 =	sadd.s32 $0x14400, s6;
	s23 =	smax.u32 s9, $0x1  }
0x15: {  	s5 =	simm.s32 $0x1CFE0;
	[dreg:$0x4] =	wrdreg s2;
	s2 =	sadd.s32 s13, s4  }
0x16: {  	s9 =	simm.s32 $0x1A290;
	s4 =	sadd.s32 $0x2700, s4;
	s24 =	sshll.u32 s2, $0x4  }
0x17: {  	s2 =	sshll.u32 s2, $0x1;
	s25 =	sshll.u32 s4, $0x4;
	s4 =	sshll.u32 s4, $0x1  }
0x18: {  	s19 =	sadd.s32 s8, s24;
	s20 =	sadd.s32 s0, s2;
	s21 =	sadd.s32 s8, s25  }
0x19: {  	s22 =	sadd.s32 s0, s4;
	s0 =	sadd.s32 $0x15F080, s1;
	s24 =	sshrl.u32 s26, $0x3  }
0x1a: {  	s26 =	sadd.s32 $0x15F000, s1;
	s2 =	simm.s32 $0x1A1A0;
	s4 =	simm.s32 $0x1A1F0  }
0x1b: {  	v0 =	vimm.f32 $0.0e+00;
	s8 =	simm.s32 $0x2;
	s25 =	sshrl.u32 @!p0 s0, $0x3;
	s0 =	simm.s32 $0x50  }
.LBB2_1:
0x1c: {  	s12 =	simm.s32 $0x0;
	s13 =	rddreg [dreg:$0x4];
	s14 =	simm.s32 $0x17A90  }
0x1d: {  	[tilespmem:s14], [sflag:$0x1] =	stream.linear.gather [hbm4b:s13+s12], $0x2710, $0x38;
	[tilespmem:$0x1FCE0] =	vst v63  }
0x1e: {  	s12 =	simm.s32 $0x0;
	s13 =	simm.s32 $0x240  }
.LBB2_2:
0x1f: {  	p1 =	sne.s32 s13, $0x69C0;
	[tilespmem:s12+$0x16010] =	vst v0  }
0x20: {  	[tilespmem:s12+$0x15F90] =	vst v0  }
0x21: {  	[tilespmem:s12+$0x15FA0] =	vst v0  }
0x22: {  	[tilespmem:s12+$0x15FB0] =	vst v0  }
.Ltmp0:
0x23: {  	[tilespmem:s12+$0x15FC0] =	vst v0;
	(pc) =	sbr.rel @p1 .LBB2_2-.Ltmp0, $4  }
0x24: {  	[tilespmem:s12+$0x15FD0] =	vst v0  }
0x25: {  	[tilespmem:s12+$0x15FE0] =	vst v0  }
0x26: {  	[tilespmem:s12+$0x15FF0] =	vst v0  }
0x27: {  	[tilespmem:s12+$0x16000] =	vst v0;
	s12 =	sshra.s32 s13, $0x2;
	s13 =	sadd.s32 $0x240, s13  }
0x28: {  	[tilespmem:s12+$0x16010] =	vst v0  }
0x29: {  	[tilespmem:s12+$0x15F90] =	vst v0  }
0x2a: {  	[tilespmem:s12+$0x15FA0] =	vst v0  }
0x2b: {  	[tilespmem:s12+$0x15FB0] =	vst v0  }
0x2c: {  	[tilespmem:s12+$0x15FC0] =	vst v0  }
0x2d: {  	[tilespmem:s12+$0x15FD0] =	vst v0  }
0x2e: {  	[tilespmem:s12+$0x15FE0] =	vst v0  }
0x2f: {  	[tilespmem:s12+$0x15FF0] =	vst v0  }
0x30: {  	[tilespmem:s12+$0x16000] =	vst v0  }
0x31: {  	_ =	swait.ge [sflag:s29], $0x2710  }
0x32: {  	[sflag:s29] =	ssyncset.done $0x0  }
0x33: {  	[sflag:s29] =	ssyncadd.s32 $0xFFFFD8F0  }
0x34: {  	[spmem:s6] =	stream.linear.scatter [tilespmem:s30], [sflag:$0x3], $0x1B00, $0x38;
	[tilespmem:$0x1FCE0] =	vst v63  }
0x35: {  	_ =	swait.ge [sflag:s31], $0x1B00  }
0x36: {  	[sflag:s31] =	ssyncset.done $0x0  }
0x37: {  	s14 =	rddreg [dreg:$0x5];
	[sflag:s31] =	ssyncadd.s32 $0xFFFFE500  }
0x38: {  	[spmem:s14] =	stream.linear.scatter [tilespmem:s30], [sflag:$0x3], $0x1B00, $0x38;
	[tilespmem:$0x1FCE0] =	vst v63  }
0x39: {  	_ =	swait.ge [sflag:s31], $0x1B00  }
0x3a: {  	[sflag:s31] =	ssyncset.done $0x0  }
0x3b: {  	s15 =	rddreg [dreg:$0x6];
	[sflag:s31] =	ssyncadd.s32 $0xFFFFE500  }
0x3c: {  	[spmem:s15] =	stream.linear.scatter [tilespmem:s30], [sflag:$0x3], $0x1B00, $0x38;
	[tilespmem:$0x1FCE0] =	vst v63  }
0x3d: {  	_ =	swait.ge [sflag:s31], $0x1B00  }
0x3e: {  	[sflag:s31] =	ssyncset.done $0x0  }
0x3f: {  	s16 =	rddreg [dreg:$0x7];
	[sflag:s31] =	ssyncadd.s32 $0xFFFFE500  }
0x40: {  	[spmem:s16] =	stream.linear.scatter [tilespmem:s30], [sflag:$0x3], $0x1B00, $0x38;
	[tilespmem:$0x1FCE0] =	vst v63  }
0x41: {  	_ =	swait.ge [sflag:s31], $0x1B00  }
0x42: {  	[sflag:s31] =	ssyncset.done $0x0  }
0x43: {  	s13 =	rddreg [dreg:$0x8];
	[sflag:s31] =	ssyncadd.s32 $0xFFFFE500  }
0x44: {  	[spmem:s13] =	stream.linear.scatter [tilespmem:s30], [sflag:$0x3], $0x1B00, $0x38;
	[tilespmem:$0x1FCE0] =	vst v63  }
0x45: {  	_ =	swait.ge [sflag:s31], $0x1B00  }
0x46: {  	[sflag:s31] =	ssyncset.done $0x0  }
0x47: {  	s14 =	rddreg [dreg:$0x9];
	[sflag:s31] =	ssyncadd.s32 $0xFFFFE500  }
0x48: {  	[spmem:s14] =	stream.linear.scatter [tilespmem:s30], [sflag:$0x3], $0x1B00, $0x38;
	[tilespmem:$0x1FCE0] =	vst v63  }
0x49: {  	_ =	swait.ge [sflag:s31], $0x1B00  }
0x4a: {  	[sflag:s31] =	ssyncset.done $0x0  }
0x4b: {  	s15 =	rddreg [dreg:$0xa];
	[sflag:s31] =	ssyncadd.s32 $0xFFFFE500  }
0x4c: {  	[spmem:s15] =	stream.linear.scatter [tilespmem:s30], [sflag:$0x3], $0x1B00, $0x38;
	[tilespmem:$0x1FCE0] =	vst v63  }
0x4d: {  	_ =	swait.ge [sflag:s31], $0x1B00  }
0x4e: {  	[sflag:s31] =	ssyncset.done $0x0  }
0x4f: {  	s16 =	rddreg [dreg:$0xb];
	[sflag:s31] =	ssyncadd.s32 $0xFFFFE500  }
0x50: {  	[spmem:s16] =	stream.linear.scatter [tilespmem:s30], [sflag:$0x3], $0x1B00, $0x38;
	[tilespmem:$0x1FCE0] =	vst v63  }
0x51: {  	_ =	swait.ge [sflag:s31], $0x1B00  }
0x52: {  	[sflag:s31] =	ssyncset.done $0x0  }
0x53: {  	s13 =	rddreg [dreg:$0xc];
	[sflag:s31] =	ssyncadd.s32 $0xFFFFE500  }
0x54: {  	[spmem:s13] =	stream.linear.scatter [tilespmem:s30], [sflag:$0x3], $0x1B00, $0x38;
	[tilespmem:$0x1FCE0] =	vst v63  }
0x55: {  	_ =	swait.ge [sflag:s31], $0x1B00  }
0x56: {  	[sflag:s31] =	ssyncset.done $0x0  }
0x57: {  	s14 =	rddreg [dreg:$0xd];
	[sflag:s31] =	ssyncadd.s32 $0xFFFFE500  }
0x58: {  	[spmem:s14] =	stream.linear.scatter [tilespmem:s30], [sflag:$0x3], $0x1B00, $0x38;
	[tilespmem:$0x1FCE0] =	vst v63  }
0x59: {  	_ =	swait.ge [sflag:s31], $0x1B00  }
0x5a: {  	[sflag:s31] =	ssyncset.done $0x0  }
0x5b: {  	s15 =	rddreg [dreg:$0xe];
	[sflag:s31] =	ssyncadd.s32 $0xFFFFE500  }
0x5c: {  	[spmem:s15] =	stream.linear.scatter [tilespmem:s30], [sflag:$0x3], $0x1B00, $0x38;
	[tilespmem:$0x1FCE0] =	vst v63  }
0x5d: {  	_ =	swait.ge [sflag:s31], $0x1B00  }
0x5e: {  	[sflag:s31] =	ssyncset.done $0x0  }
0x5f: {  	[sflag:s31] =	ssyncadd.s32 $0xFFFFE500  }
0x60: {  	[spmem:s17] =	stream.linear.scatter [tilespmem:s30], [sflag:$0x3], $0x1B00, $0x38;
	[tilespmem:$0x1FCE0] =	vst v63  }
0x61: {  	_ =	swait.ge [sflag:s31], $0x1B00  }
0x62: {  	[sflag:s31] =	ssyncset.done $0x0  }
0x63: {  	[sflag:s31] =	ssyncadd.s32 $0xFFFFE500  }
0x64: {  	[spmem:s18] =	stream.linear.scatter [tilespmem:s30], [sflag:$0x3], $0x1B00, $0x38;
	[tilespmem:$0x1FCE0] =	vst v63  }
0x65: {  	_ =	swait.ge [sflag:s31], $0x1B00  }
0x66: {  	[sflag:s31] =	ssyncset.done $0x0  }
0x67: {  	s12 =	simm.s32 @!p0 $0x15F90;
	[sflag:s31] =	ssyncadd.s32 $0xFFFFE500  }
0x68: {  	[spmem:s26] =	stream.linear.scatter @!p0 [tilespmem:s12], [sflag:$0x3], $0x900, $0x38;
	[tilespmem:$0x1FCE0] =	vst v63  }
0x69: {  	s12 =	simm.s32 @!p0 $0x3  }
0x6a: {  	_ =	swait.ge @!p0 [sflag:s12], $0x900  }
0x6b: {  	[sflag:s12] =	ssyncset.done @!p0 $0x0  }
0x6c: {  	[sflag:s12] =	ssyncadd.s32 @!p0 $0xFFFFF700  }
0x6d: {  	[bflag:$0x0] =	sbarrier.arrive $0xFFFF  }
0x6e: {  	v1 =	vld [tilespmem:$0x17A90];
	_ =	sdelay $0x1  }
0x6f: {  	v2 =	vld [tilespmem:$0x17AA0];
	_ =	sdelay $0x1  }
0x70: {  	v3 =	vld [tilespmem:$0x17AB0]  }
0x71: {  	v4 =	vand.u32 $0x3FFF, v1  }
0x72: {  	v63 =	vld [tilespmem:$0x17AC0];
	v1 =	vshrl.u32 v1, $0xE;
	[tilespmem:$0x1A1A0] =	vst v4  }
0x73: {  	[tilespmem:$0x1A240] =	vst v1;
	v1 =	vand.u32 $0x3FFF, v2  }
0x74: {  	[tilespmem:$0x1A1B0] =	vst v1;
	v1 =	vshrl.u32 v2, $0xE;
	v2 =	vld [tilespmem:$0x17AD0]  }
0x75: {  	[tilespmem:$0x1A250] =	vst v1;
	v1 =	vand.u32 $0x3FFF, v3  }
0x76: {  	[tilespmem:$0x1A1C0] =	vst v1;
	v1 =	vshrl.u32 v3, $0xE  }
0x77: {  	[tilespmem:$0x1A260] =	vst v1;
	v1 =	vand.u32 $0x3FFF, v63  }
0x78: {  	[tilespmem:$0x1A1D0] =	vst v1;
	v1 =	vshrl.u32 v63, $0xE  }
0x79: {  	[tilespmem:$0x1A270] =	vst v1;
	v1 =	vand.u32 $0x3FFF, v2  }
0x7a: {  	[tilespmem:$0x1A1E0] =	vst v1;
	v1 =	vshrl.u32 v2, $0xE  }
0x7b: {  	s16 =	simm.s32 $0x0;
	[tilespmem:$0x1A280] =	vst v1  }
0x7c: {  	[tilespmem:s28], [sflag:$0x1] =	stream.indirect.gather [hbm4b:s3+s0], $0x90, s2, s0, $0xb8;
	[tilespmem:$0x1FCE0] =	vst v63  }
0x7d: {  	v1 =	vld [tilespmem:s16+$0x17AE0];
	_ =	sdelay $0x4  }
0x7e: {  	v2 =	vand.u32 $0x3FFF, v1  }
0x7f: {  	v1 =	vshrl.u32 v1, $0xE;
	[tilespmem:$0x1A1F0] =	vst v2  }
0x80: {  	[tilespmem:$0x1A290] =	vst v1  }
0x81: {  	v1 =	vld [tilespmem:s16+$0x17AF0];
	_ =	sdelay $0x4  }
0x82: {  	v2 =	vand.u32 $0x3FFF, v1  }
0x83: {  	v1 =	vshrl.u32 v1, $0xE;
	[tilespmem:$0x1A200] =	vst v2  }
0x84: {  	[tilespmem:$0x1A2A0] =	vst v1  }
0x85: {  	v1 =	vld [tilespmem:s16+$0x17B00];
	_ =	sdelay $0x4  }
0x86: {  	v2 =	vand.u32 $0x3FFF, v1  }
0x87: {  	v1 =	vshrl.u32 v1, $0xE;
	[tilespmem:$0x1A210] =	vst v2  }
0x88: {  	[tilespmem:$0x1A2B0] =	vst v1  }
0x89: {  	v1 =	vld [tilespmem:s16+$0x17B10];
	_ =	sdelay $0x4  }
0x8a: {  	v2 =	vand.u32 $0x3FFF, v1  }
0x8b: {  	v1 =	vshrl.u32 v1, $0xE;
	[tilespmem:$0x1A220] =	vst v2  }
0x8c: {  	[tilespmem:$0x1A2C0] =	vst v1  }
0x8d: {  	v1 =	vld [tilespmem:s16+$0x17B20];
	_ =	sdelay $0x4  }
0x8e: {  	v2 =	vand.u32 $0x3FFF, v1  }
0x8f: {  	v1 =	vshrl.u32 v1, $0xE;
	[tilespmem:$0x1A230] =	vst v2  }
0x90: {  	[tilespmem:$0x1A2D0] =	vst v1  }
0x91: {  	[tilespmem:s5], [sflag:$0x2] =	stream.indirect.gather [hbm4b:s3+s0], $0x90, s4, s0, $0xb8;
	[tilespmem:$0x1FCE0] =	vst v63  }
0x92: {  	_ =	swait.ge [sflag:s29], $0x2D00  }
0x93: {  	[sflag:s29] =	ssyncset.done $0x0  }
0x94: {  	[sflag:s29] =	ssyncadd.s32 $0xFFFFD300  }
0x95: {  	[spmem:s1] =	stream.indirect.scatter.add.f32 [tilespmem:s28], [sflag:$0x3], $0x90, s7, s0, $0xb8;
	[tilespmem:$0x1FCE0] =	vst v63  }
0x96: {  	_ =	swait.ge [sflag:s31], $0x2D00  }
0x97: {  	[sflag:s31] =	ssyncset.done $0x0  }
0x98: {  	[sflag:s31] =	ssyncadd.s32 $0xFFFFD300  }
0x99: {  	v1 =	vld [tilespmem:s16+$0x17B30];
	_ =	sdelay $0x4  }
0x9a: {  	v2 =	vand.u32 $0x3FFF, v1  }
0x9b: {  	v1 =	vshrl.u32 v1, $0xE;
	[tilespmem:$0x1A1A0] =	vst v2  }
0x9c: {  	[tilespmem:$0x1A240] =	vst v1  }
0x9d: {  	v1 =	vld [tilespmem:s16+$0x17B40];
	_ =	sdelay $0x4  }
0x9e: {  	v2 =	vand.u32 $0x3FFF, v1  }
0x9f: {  	v1 =	vshrl.u32 v1, $0xE;
	[tilespmem:$0x1A1B0] =	vst v2  }
0xa0: {  	[tilespmem:$0x1A250] =	vst v1  }
0xa1: {  	v1 =	vld [tilespmem:s16+$0x17B50];
	_ =	sdelay $0x4  }
0xa2: {  	v2 =	vand.u32 $0x3FFF, v1  }
0xa3: {  	v1 =	vshrl.u32 v1, $0xE;
	[tilespmem:$0x1A1C0] =	vst v2  }
0xa4: {  	[tilespmem:$0x1A260] =	vst v1  }
0xa5: {  	v1 =	vld [tilespmem:s16+$0x17B60];
	_ =	sdelay $0x4  }
0xa6: {  	v2 =	vand.u32 $0x3FFF, v1  }
0xa7: {  	v1 =	vshrl.u32 v1, $0xE;
	[tilespmem:$0x1A1D0] =	vst v2  }
0xa8: {  	[tilespmem:$0x1A270] =	vst v1  }
0xa9: {  	s12 =	simm.s32 $0x280;
	v1 =	vld [tilespmem:s16+$0x17B70]  }
.LBB2_4:
0xaa: {  	_ =	sdelay $0x3  }
0xab: {  	p1 =	sne.s32 s12, $0x9880;
	s13 =	smov.u32 s12;
	s12 =	sadd.s32 $0x280, s12;
	v2 =	vand.u32 $0x3FFF, v1;
	v1 =	vshrl.u32 v1, $0xE  }
0xac: {  	[tilespmem:$0x1A1E0] =	vst v2  }
0xad: {  	[tilespmem:$0x1A280] =	vst v1  }
0xae: {  	[tilespmem:s28], [sflag:$0x1] =	stream.indirect.gather [hbm4b:s3+s0], $0x90, s2, s0, $0xb8;
	[tilespmem:$0x1FCE0] =	vst v63  }
0xaf: {  	_ =	swait.ge [sflag:s8], $0x2D00  }
0xb0: {  	[sflag:s8] =	ssyncset.done $0x0  }
0xb1: {  	[sflag:s8] =	ssyncadd.s32 $0xFFFFD300  }
0xb2: {  	[spmem:s1] =	stream.indirect.scatter.add.f32 [tilespmem:s5], [sflag:$0x3], $0x90, s9, s0, $0xb8;
	[tilespmem:$0x1FCE0] =	vst v63  }
0xb3: {  	_ =	swait.ge [sflag:s31], $0x2D00  }
0xb4: {  	[sflag:s31] =	ssyncset.done $0x0  }
0xb5: {  	s13 =	sshra.s32 s13, $0x2;
	[sflag:s31] =	ssyncadd.s32 $0xFFFFD300  }
0xb6: {  	v1 =	vld [tilespmem:s13+$0x17AE0];
	_ =	sdelay $0x4  }
0xb7: {  	v2 =	vand.u32 $0x3FFF, v1;
	v1 =	vshrl.u32 v1, $0xE  }
0xb8: {  	[tilespmem:$0x1A1F0] =	vst v2  }
0xb9: {  	[tilespmem:$0x1A290] =	vst v1  }
0xba: {  	v1 =	vld [tilespmem:s13+$0x17AF0];
	_ =	sdelay $0x4  }
0xbb: {  	v2 =	vand.u32 $0x3FFF, v1;
	v1 =	vshrl.u32 v1, $0xE  }
0xbc: {  	[tilespmem:$0x1A200] =	vst v2  }
0xbd: {  	[tilespmem:$0x1A2A0] =	vst v1  }
0xbe: {  	v1 =	vld [tilespmem:s13+$0x17B00];
	_ =	sdelay $0x4  }
0xbf: {  	v2 =	vand.u32 $0x3FFF, v1;
	v1 =	vshrl.u32 v1, $0xE  }
0xc0: {  	[tilespmem:$0x1A210] =	vst v2  }
0xc1: {  	[tilespmem:$0x1A2B0] =	vst v1  }
0xc2: {  	v1 =	vld [tilespmem:s13+$0x17B10];
	_ =	sdelay $0x4  }
0xc3: {  	v2 =	vand.u32 $0x3FFF, v1;
	v1 =	vshrl.u32 v1, $0xE  }
0xc4: {  	[tilespmem:$0x1A220] =	vst v2  }
0xc5: {  	[tilespmem:$0x1A2C0] =	vst v1  }
0xc6: {  	v1 =	vld [tilespmem:s13+$0x17B20];
	_ =	sdelay $0x4  }
0xc7: {  	v2 =	vand.u32 $0x3FFF, v1;
	v1 =	vshrl.u32 v1, $0xE  }
0xc8: {  	[tilespmem:$0x1A230] =	vst v2  }
0xc9: {  	[tilespmem:$0x1A2D0] =	vst v1  }
0xca: {  	[tilespmem:s5], [sflag:$0x2] =	stream.indirect.gather [hbm4b:s3+s0], $0x90, s4, s0, $0xb8;
	[tilespmem:$0x1FCE0] =	vst v63  }
0xcb: {  	_ =	swait.ge [sflag:s29], $0x2D00  }
0xcc: {  	[sflag:s29] =	ssyncset.done $0x0  }
0xcd: {  	[sflag:s29] =	ssyncadd.s32 $0xFFFFD300  }
0xce: {  	[spmem:s1] =	stream.indirect.scatter.add.f32 [tilespmem:s28], [sflag:$0x3], $0x90, s7, s0, $0xb8;
	[tilespmem:$0x1FCE0] =	vst v63  }
0xcf: {  	_ =	swait.ge [sflag:s31], $0x2D00  }
0xd0: {  	[sflag:s31] =	ssyncset.done $0x0  }
0xd1: {  	[sflag:s31] =	ssyncadd.s32 $0xFFFFD300  }
0xd2: {  	v1 =	vld [tilespmem:s13+$0x17B30];
	_ =	sdelay $0x4  }
0xd3: {  	v2 =	vand.u32 $0x3FFF, v1;
	v1 =	vshrl.u32 v1, $0xE  }
0xd4: {  	[tilespmem:$0x1A1A0] =	vst v2  }
0xd5: {  	[tilespmem:$0x1A240] =	vst v1  }
0xd6: {  	v1 =	vld [tilespmem:s13+$0x17B40];
	_ =	sdelay $0x4  }
0xd7: {  	v2 =	vand.u32 $0x3FFF, v1;
	v1 =	vshrl.u32 v1, $0xE  }
0xd8: {  	[tilespmem:$0x1A1B0] =	vst v2  }
0xd9: {  	[tilespmem:$0x1A250] =	vst v1  }
0xda: {  	v1 =	vld [tilespmem:s13+$0x17B50];
	_ =	sdelay $0x4  }
0xdb: {  	v2 =	vand.u32 $0x3FFF, v1;
	v1 =	vshrl.u32 v1, $0xE  }
0xdc: {  	[tilespmem:$0x1A1C0] =	vst v2  }
0xdd: {  	[tilespmem:$0x1A260] =	vst v1  }
0xde: {  	v1 =	vld [tilespmem:s13+$0x17B60];
	_ =	sdelay $0x3  }
.Ltmp1:
0xdf: {  	(pc) =	sbr.rel @p1 .LBB2_4-.Ltmp1, $4  }
0xe0: {  	v2 =	vand.u32 $0x3FFF, v1;
	v1 =	vshrl.u32 v1, $0xE  }
0xe1: {  	[tilespmem:$0x1A1D0] =	vst v2  }
0xe2: {  	[tilespmem:$0x1A270] =	vst v1  }
0xe3: {  	v1 =	vld [tilespmem:s13+$0x17B70]  }
0xe4: {  	_ =	sdelay $0x3  }
0xe5: {  	v2 =	vand.u32 $0x3FFF, v1  }
0xe6: {  	v1 =	vshrl.u32 v1, $0xE;
	[tilespmem:$0x1A1E0] =	vst v2  }
0xe7: {  	[tilespmem:$0x1A280] =	vst v1  }
0xe8: {  	[tilespmem:s28], [sflag:$0x1] =	stream.indirect.gather [hbm4b:s3+s0], $0x90, s2, s0, $0xb8;
	[tilespmem:$0x1FCE0] =	vst v63  }
0xe9: {  	_ =	swait.ge [sflag:s8], $0x2D00  }
0xea: {  	[sflag:s8] =	ssyncset.done $0x0  }
0xeb: {  	[sflag:s8] =	ssyncadd.s32 $0xFFFFD300  }
0xec: {  	[spmem:s1] =	stream.indirect.scatter.add.f32 [tilespmem:s5], [sflag:$0x3], $0x90, s9, s0, $0xb8;
	[tilespmem:$0x1FCE0] =	vst v63  }
0xed: {  	_ =	swait.ge [sflag:s31], $0x2D00  }
0xee: {  	[sflag:s31] =	ssyncset.done $0x0  }
0xef: {  	[sflag:s31] =	ssyncadd.s32 $0xFFFFD300  }
0xf0: {  	_ =	swait.ge [sflag:s29], $0x2D00  }
0xf1: {  	[sflag:s29] =	ssyncset.done $0x0  }
0xf2: {  	[sflag:s29] =	ssyncadd.s32 $0xFFFFD300  }
0xf3: {  	[spmem:s1] =	stream.indirect.scatter.add.f32 [tilespmem:s28], [sflag:$0x3], $0x90, s7, s0, $0xb8;
	[tilespmem:$0x1FCE0] =	vst v63  }
0xf4: {  	_ =	swait.ge [sflag:s31], $0x2D00  }
0xf5: {  	s12 =	stileid.u32;
	[sflag:s31] =	ssyncset.done $0x0  }
0xf6: {  	s13 =	sshrl.u32 s6, $0x3;
	s12 =	sshll.u32 s12, $0x6;
	[sflag:s31] =	ssyncadd.s32 $0xFFFFD300  }
0xf7: {  	s14 =	simm.s32 $0x10;
	s12 =	sor.u32 $0x1C03, s12;
	[bflag:$0x0] =	sbarrier.arrive $0xFFFF  }
0xf8: {  	[hbm:s19@s14], [sflag:s12] =	dma.strided [spmem:s13@s10], $0x2700, s29, $0x10   }
0xf9: {  	_ =	swait.ge [sflag:s31], $0x2700  }
0xfa: {  	[sflag:s31] =	ssyncset.done $0x0  }
0xfb: {  	[sflag:s31] =	ssyncadd.s32 $0xFFFFD900  }
0xfc: {  	[hbm:s20@s8], [sflag:s12] =	dma.strided [spmem:s24@s10], $0x4E0, s29, $0x2   }
0xfd: {  	_ =	swait.ge [sflag:s31], $0x4E0  }
0xfe: {  	s15 =	simm.s32 @!p0 $0x10;
	s16 =	simm.s32 @!p0 $0x12;
	[sflag:s31] =	ssyncset.done $0x0  }
0xff: {  	s13 =	sshrl.u32 @!p0 s26, $0x3;
	s14 =	simm.s32 @!p0 $0x1;
	[sflag:s31] =	ssyncadd.s32 $0xFFFFFB20  }
0x100: {  	[hbm:s21@s15], [sflag:s12] =	dma.strided @!p0 [spmem:s13@s16], $0x100, s14, $0x10   }
0x101: {  	s13 =	simm.s32 @!p0 $0x3  }
0x102: {  	s11 =	sadd.s32 $0x1, s11;
	_ =	swait.ge @!p0 [sflag:s13], $0x100  }
0x103: {  	p1 =	sne.s32 s11, s23;
	[sflag:s13] =	ssyncset.done @!p0 $0x0  }
.Ltmp2:
0x104: {  	s15 =	simm.s32 @!p0 $0x2;
	[sflag:s13] =	ssyncadd.s32 @!p0 $0xFFFFFF00;
	(pc) =	sbr.rel @p1 .LBB2_1-.Ltmp2, $4  }
0x105: {  	[hbm:s22@s15], [sflag:s12] =	dma.strided @!p0 [spmem:s25@s16], $0x20, s14, $0x2   }
0x106: {  	_ =	swait.ge @!p0 [sflag:s13], $0x20  }
0x107: {  	[sflag:s13] =	ssyncset.done @!p0 $0x0  }
0x108: {  	[sflag:s13] =	ssyncadd.s32 @!p0 $0xFFFFFFE0  }
0x109: {  	_ =	sfence.sel $0x180000  }
0x10a: {  	[bflag:$0x0] =	sbarrier.arrive $0xFFFF  }
0x10b: {  	_ =	strace $0x90000047  }
0x10c: {  	[bflag:$0x2] =	sbarrier.arrive $0xFFFF  }
0x10d: {  	s0 =	rddreg [dreg:$0x3]  }
0x10e: {  	s0 =	sadd.s32 @!p0 $0x100000, s0  }
0x10f: {  	[sflag:s0] =	ssyncadd.tile.s32 @!p0 $0x1;
	_ =	shalt  }
.Lfunc_end2:
_tile_overlayer_lowered:
.L_overlay_start_2:
0x110: {  	(tag) =	ssettag $0x2  }
0x111: {  	s0 =	rddreg [dreg:$0x0];
	s2 =	stileid.u32  }
0x112: {  	s1 =	rddreg [dreg:$0x1];
	p0 =	sne.s32 s2, $0x0  }
0x113: {  	s3 =	rddreg [dreg:$0x2];
	[bflag:$0x3] =	sbarrier.arrive $0xFFFF;
	s2 =	simm.s32 @!p0 $0x1C03  }
0x114: {  	[timem:s3], [sflag:s2] =	dma.local @!p0 [hbm:s0], s1  }
0x115: {  	s0 =	simm.s32 @!p0 $0x3  }
0x116: {  	_ =	swait.ge @!p0 [sflag:s0], s1  }
0x117: {  	s1 =	ssub.s32 @!p0 $0x0, s1;
	[sflag:s0] =	ssyncset.done @!p0 $0x0  }
0x118: {  	[sflag:s0] =	ssyncadd.s32 @!p0 s1  }
0x119: {  	[bflag:$0x3] =	sbarrier.arrive $0xFFFF  }
0x11a: {  	_ =	shalt  }

</sc_bundles>
